<compile_context>
chip_gen: v7x
topology: tpu7x:2x2x1
jax: 0.10.2.dev20260603
libtpu: 0.0.44.dev20260713+nightly
codegen_flags: <defaults>
</compile_context>

<pallas_src>
import functools

import jax
import jax.numpy as jnp
from jax import lax
from jax.experimental import pallas as pl
from jax.experimental.pallas import tpu as pltpu
from jax.experimental.pallas import tpu_sc as plsc

WORD_DIM = 64
H = 320
N_TOK = 1024 * 50
NW = 32

W_IDX_ROWS = 512
N_PAD = W_IDX_ROWS * 128
W_ROWS_PER_WORKER = W_IDX_ROWS // NW
W_CHUNK = 4
W_SUPER = W_ROWS_PER_WORKER // W_CHUNK
CHUNK_ROWS = W_CHUNK * 128


def _sc_word_gather(pair_idx, wtab_pairs):
    mesh = plsc.VectorSubcoreMesh(core_axis_name="c", subcore_axis_name="s")

    @functools.partial(
        pl.kernel,
        out_type=jax.ShapeDtypeStruct((N_PAD, 128), jnp.float32),
        mesh=mesh,
        scratch_types=[
            pltpu.VMEM((W_ROWS_PER_WORKER, 128), jnp.int32),
            pltpu.VMEM((CHUNK_ROWS, 128), jnp.float32),
            pltpu.SemaphoreType.DMA,
        ],
        compiler_params=pltpu.CompilerParams(use_tc_tiling_on_sc=False),
    )
    def gather_kernel(idx_hbm, tab_hbm, out_w, idx_v, rows_v, sem):
        wid = lax.axis_index("s") * 2 + lax.axis_index("c")
        base_row = wid * W_ROWS_PER_WORKER
        pltpu.sync_copy(idx_hbm.at[pl.ds(base_row, W_ROWS_PER_WORKER)], idx_v)
        for g in range(W_SUPER):
            for k in range(W_CHUNK):
                pltpu.async_copy(
                    tab_hbm.at[idx_v.at[g * W_CHUNK + k]],
                    rows_v.at[pl.ds(k * 128, 128)],
                    sem,
                )
            pltpu.make_async_copy(
                out_w.at[pl.ds(0, CHUNK_ROWS)], rows_v, sem
            ).wait()
            pltpu.sync_copy(
                rows_v,
                out_w.at[pl.ds((base_row + g * W_CHUNK) * 128, CHUNK_ROWS)],
            )

    return gather_kernel(pair_idx, wtab_pairs)


BLK = 3200
BB = BLK // 50


def _tc_body(wr_ref, cidx_ref, bigtab_ref,
             wc0, bt0, bg0, wc1, bt1, bg1, o_ref):
    ce = cidx_ref[...]
    parity = ce[:, 16:17]
    wr = wr_ref[...]
    w64 = jnp.where(parity == jnp.int16(0), wr[:, :WORD_DIM], wr[:, WORD_DIM:])
    c = ce[:, :16]
    c_tiled = pltpu.repeat(c, 128, axis=1)
    vcode = (lax.broadcasted_iota(jnp.int32, (1, 2048), 1) >> 4
             ).astype(jnp.int16)
    onehot = jnp.where(c_tiled == vcode,
                       jnp.bfloat16(1.0), jnp.bfloat16(0.0))
    cf = jnp.dot(onehot, bigtab_ref[...], preferred_element_type=jnp.float32)
    x = jnp.concatenate([w64, cf], axis=1)
    for wcat, bt, bg in ((wc0, bt0, bg0), (wc1, bt1, bg1)):
        xb = x.astype(jnp.bfloat16)
        y = jnp.dot(xb, wcat[...], preferred_element_type=jnp.float32)
        g = jax.nn.sigmoid(y[:, :H] + bg[...])
        t = jax.nn.relu(y[:, 384:384 + H] + bt[...])
        x = x + g * (t - x)
    o_ref[...] = x.reshape(BB, 50, H)


def _tc_stage(word_rows, cidx2d, bigtab,
              wc0, bt0, bg0, wc1, bt1, bg1):
    grid = (N_TOK // BLK,)
    full = pl.BlockSpec((H, 768), lambda i: (0, 0))
    vec = pl.BlockSpec((1, H), lambda i: (0, 0))
    return pl.pallas_call(
        _tc_body,
        grid=grid,
        in_specs=[
            pl.BlockSpec((BLK, 128), lambda i: (i, 0)),
            pl.BlockSpec((BLK, 17), lambda i: (i, 0)),
            pl.BlockSpec((2048, 256), lambda i: (0, 0)),
            full, vec, vec, full, vec, vec,
        ],
        out_specs=pl.BlockSpec((BB, 50, H), lambda i: (i, 0, 0)),
        out_shape=jax.ShapeDtypeStruct((1024, 50, H), jnp.float32),
    )(word_rows, cidx2d, bigtab,
      wc0, bt0, bg0, wc1, bt1, bg1)


def kernel(w_idx, c_idx, word_table, char_table,
           Wt0, bt0, Wg0, bg0, Wt1, bt1, Wg1, bg1):
    B, L = w_idx.shape
    wflat = w_idx.reshape(N_TOK).astype(jnp.int32)
    pad_tail = jnp.arange(N_PAD - N_TOK, dtype=jnp.int32)
    pair_idx = jnp.concatenate([wflat >> 1, pad_tail]).reshape(W_IDX_ROWS, 128)
    wtab_pairs = word_table.reshape(word_table.shape[0] // 2, 128)

    word_rows = _sc_word_gather(pair_idx, wtab_pairs)

    bigtab = (char_table[:, None, None, :]
              * jnp.eye(16, dtype=jnp.float32)[None, :, :, None]
              ).reshape(2048, 256)

    bf = jnp.bfloat16

    def wcat(wg, wt):
        z = jnp.zeros((H, 64), jnp.float32)
        return jnp.concatenate([wg.T, z, wt.T, z], axis=1).astype(bf)

    ci_ext = jnp.concatenate(
        [c_idx.reshape(N_TOK, 16).astype(jnp.int16),
         (wflat & 1).astype(jnp.int16).reshape(N_TOK, 1)], axis=1)
    out = _tc_stage(
        word_rows, ci_ext,
        bigtab.astype(bf),
        wcat(Wg0, Wt0), bt0.reshape(1, H), bg0.reshape(1, H),
        wcat(Wg1, Wt1), bt1.reshape(1, H), bg1.reshape(1, H),
    )
    return out

# --- scband reference (transcript-rebuilt; emitter-appended) ---
"""Pipeline reference for scband-input-embedding-39754217292147 (READ-ONLY COPY).

The authoritative reference and input builder live on the scoring server;
editing this copy changes nothing except your own understanding.
"""

import jax, jax.numpy as jnp
import numpy as np

WORD_VOCAB = 100000
WORD_DIM = 64
CHAR_VOCAB = 128
CHAR_DIM = 16
CHAR_LIMIT = 16
B = 1024
L = 50
H = WORD_DIM + CHAR_LIMIT * CHAR_DIM  # 320


def setup_inputs(seed: int = 0) -> dict:
    key = jax.random.key(seed)
    ks = jax.random.split(key, 12)
    w_idx = jax.random.randint(ks[0], (B, L), 0, WORD_VOCAB)
    c_idx = jax.random.randint(ks[1], (B, L, CHAR_LIMIT), 0, CHAR_VOCAB)
    word_table = jax.random.normal(ks[2], (WORD_VOCAB, WORD_DIM), dtype=jnp.float32)
    char_table = jax.random.normal(ks[3], (CHAR_VOCAB, CHAR_DIM), dtype=jnp.float32)
    char_table = char_table.at[0].set(0.0)  # padding_idx=0
    s = 1.0 / np.sqrt(H)
    def lin(k):
        k1, k2 = jax.random.split(k)
        W = jax.random.uniform(k1, (H, H), minval=-s, maxval=s, dtype=jnp.float32)
        b = jax.random.uniform(k2, (H,), minval=-s, maxval=s, dtype=jnp.float32)
        return W, b
    Wt0, bt0 = lin(ks[4])
    Wg0, bg0 = lin(ks[5])
    Wt1, bt1 = lin(ks[6])
    Wg1, bg1 = lin(ks[7])
    return {
        'w_idx': w_idx, 'c_idx': c_idx,
        'word_table': word_table, 'char_table': char_table,
        'Wt0': Wt0, 'bt0': bt0, 'Wg0': Wg0, 'bg0': bg0,
        'Wt1': Wt1, 'bt1': bt1, 'Wg1': Wg1, 'bg1': bg1,
    }


def reference(w_idx, c_idx, word_table, char_table,
              Wt0, bt0, Wg0, bg0, Wt1, bt1, Wg1, bg1):
    # word + char embedding lookups
    word_emb = jnp.take(word_table, w_idx, axis=0)            # [B, L, 64]
    char_emb = jnp.take(char_table, c_idx, axis=0)            # [B, L, 16, 16]
    char_flat = char_emb.reshape(char_emb.shape[0], char_emb.shape[1], -1)  # [B, L, 256]
    emb = jnp.concatenate([word_emb, char_flat], axis=2)      # [B, L, 320]
    # dropout: eval mode (training=False) -> identity
    # 2-layer Highway encoder: g = sigmoid(Wg x + bg), t = relu(Wt x + bt), x = g*t + (1-g)*x
    for (Wt, bt, Wg, bg) in ((Wt0, bt0, Wg0, bg0), (Wt1, bt1, Wg1, bg1)):
        g = jax.nn.sigmoid(jnp.einsum('bld,hd->blh', emb, Wg) + bg)
        t = jax.nn.relu(jnp.einsum('bld,hd->blh', emb, Wt) + bt)
        emb = g * t + (1.0 - g) * emb
    return emb

if __name__ == "__main__":
    import jax
    _d = setup_inputs()
    print(jax.jit(kernel)(*tuple(_d.values())))

</pallas_src>

<mosaic_0001>
#map = affine_map<(d0, d1) -> (0, 0)>
module attributes {stable_mosaic.version = 14 : i64} {
  func.func @gather_kernel(%arg0: i32, %arg1: i32, %arg2: memref<512x128xi32, #tpu.memory_space<hbm>>, %arg3: memref<50000x128xf32, #tpu.memory_space<hbm>>, %arg4: memref<65536x128xf32, #tpu.memory_space<hbm>>, %arg5: memref<16x128xi32, #tpu.memory_space<vmem>>, %arg6: memref<512x128xf32, #tpu.memory_space<vmem>>, %arg7: memref<!tpu.dma_semaphore, #tpu.memory_space<semaphore_mem>>) attributes {dimension_semantics = [#tpu.dimension_semantics<core_parallel>, #tpu.dimension_semantics<subcore_parallel>], iteration_bounds = array<i64: 2, 16>, scalar_prefetch = 0 : i64, scratch_operands = 3 : i64, tpu.core_type = #tpu.core_type<sc_vector_subcore>, window_params = [{transform_indices = #map}, {transform_indices = #map}, {transform_indices = #map}]} {
    %mul3A = arith.constant 2 : i32
    %mul3A_0 = arith.muli %arg1, %mul3A : i32
    %add3A = arith.addi %mul3A_0, %arg0 : i32
    %mul3A_1 = arith.constant 16 : i32
    %mul3A_2 = arith.muli %add3A, %mul3A_1 : i32
    "tpu.region"() ({
      %run_scoped3A = tpu.sem_alloc : memref<!tpu.dma_semaphore, #tpu.memory_space<semaphore_mem>>
      %dma_start3A_201 = arith.constant 0 : i32
      %dma_start3A_202 = tpu.memref_slice %arg2[%mul3A_2, %dma_start3A_201] : memref<512x128xi32, #tpu.memory_space<hbm>> -> memref<16x128xi32, #tpu.memory_space<hbm>>
      %dma_start3A_203 = arith.constant 0 : i32
      %dma_start3A_204 = tpu.memref_slice %arg2[%mul3A_2, %dma_start3A_203] : memref<512x128xi32, #tpu.memory_space<hbm>> -> memref<16x128xi32, #tpu.memory_space<hbm>>
      tpu.enqueue_dma source(%dma_start3A_204 : memref<16x128xi32, #tpu.memory_space<hbm>>) target(%arg5 : memref<16x128xi32, #tpu.memory_space<vmem>>) target_semaphore(%run_scoped3A : memref<!tpu.dma_semaphore, #tpu.memory_space<semaphore_mem>>)
      %dma_wait3A_205 = arith.constant 0 : i32
      %dma_wait3A_206 = tpu.memref_slice %arg2[%mul3A_2, %dma_wait3A_205] : memref<512x128xi32, #tpu.memory_space<hbm>> -> memref<16x128xi32, #tpu.memory_space<hbm>>
      %dma_wait3A_207 = arith.constant 0 : i32
      %dma_wait3A_208 = tpu.memref_slice %arg2[%mul3A_2, %dma_wait3A_207] : memref<512x128xi32, #tpu.memory_space<hbm>> -> memref<16x128xi32, #tpu.memory_space<hbm>>
      tpu.wait_dma2 semaphore(%run_scoped3A : memref<!tpu.dma_semaphore, #tpu.memory_space<semaphore_mem>>) src(%dma_wait3A_208 : memref<16x128xi32, #tpu.memory_space<hbm>>) dst(%arg5 : memref<16x128xi32, #tpu.memory_space<vmem>>)
      tpu.yield
    }) : () -> ()
    %dma_start3A = arith.constant 0 : i32
    %dma_start3A_3 = arith.constant 0 : i32
    %dma_start3A_4 = arith.constant 0 : i32
    %dma_start3A_5 = tpu.memref_slice %arg6[%dma_start3A_3, %dma_start3A_4] : memref<512x128xf32, #tpu.memory_space<vmem>> -> memref<128x128xf32, #tpu.memory_space<vmem>>
    %dma_start3A_6 = arith.constant 0 : i32
    %dma_start3A_7 = tpu.memref_slice %arg5[%dma_start3A, %dma_start3A_6] : memref<16x128xi32, #tpu.memory_space<vmem>> -> memref<1x128xi32, #tpu.memory_space<vmem>>
    %dma_start3A_8 = tpu.memref_squeeze %dma_start3A_7 : memref<1x128xi32, #tpu.memory_space<vmem>> -> memref<128xi32, #tpu.memory_space<vmem>>
    %dma_start3A_9 = arith.constant 0 : i32
    %dma_start3A_10 = arith.constant 0 : i32
    %dma_start3A_11 = tpu.memref_slice %arg3[%dma_start3A_9, %dma_start3A_10] : memref<50000x128xf32, #tpu.memory_space<hbm>> -> memref<50000x128xf32, #tpu.memory_space<hbm>>
    tpu.enqueue_indirect_dma source(%dma_start3A_11 : memref<50000x128xf32, #tpu.memory_space<hbm>>) target(%dma_start3A_5 : memref<128x128xf32, #tpu.memory_space<vmem>>) offsets(%dma_start3A_8 : memref<128xi32, #tpu.memory_space<vmem>>) semaphore(%arg7 : memref<!tpu.dma_semaphore, #tpu.memory_space<semaphore_mem>>)
    %dma_start3A_12 = arith.constant 1 : i32
    %dma_start3A_13 = arith.constant 128 : i32
    %dma_start3A_14 = arith.constant 0 : i32
    %dma_start3A_15 = tpu.memref_slice %arg6[%dma_start3A_13, %dma_start3A_14] : memref<512x128xf32, #tpu.memory_space<vmem>> -> memref<128x128xf32, #tpu.memory_space<vmem>>
    %dma_start3A_16 = arith.constant 0 : i32
    %dma_start3A_17 = tpu.memref_slice %arg5[%dma_start3A_12, %dma_start3A_16] : memref<16x128xi32, #tpu.memory_space<vmem>> -> memref<1x128xi32, #tpu.memory_space<vmem>>
    %dma_start3A_18 = tpu.memref_squeeze %dma_start3A_17 : memref<1x128xi32, #tpu.memory_space<vmem>> -> memref<128xi32, #tpu.memory_space<vmem>>
    %dma_start3A_19 = arith.constant 0 : i32
    %dma_start3A_20 = arith.constant 0 : i32
    %dma_start3A_21 = tpu.memref_slice %arg3[%dma_start3A_19, %dma_start3A_20] : memref<50000x128xf32, #tpu.memory_space<hbm>> -> memref<50000x128xf32, #tpu.memory_space<hbm>>
    tpu.enqueue_indirect_dma source(%dma_start3A_21 : memref<50000x128xf32, #tpu.memory_space<hbm>>) target(%dma_start3A_15 : memref<128x128xf32, #tpu.memory_space<vmem>>) offsets(%dma_start3A_18 : memref<128xi32, #tpu.memory_space<vmem>>) semaphore(%arg7 : memref<!tpu.dma_semaphore, #tpu.memory_space<semaphore_mem>>)
    %dma_start3A_22 = arith.constant 2 : i32
    %dma_start3A_23 = arith.constant 256 : i32
    %dma_start3A_24 = arith.constant 0 : i32
    %dma_start3A_25 = tpu.memref_slice %arg6[%dma_start3A_23, %dma_start3A_24] : memref<512x128xf32, #tpu.memory_space<vmem>> -> memref<128x128xf32, #tpu.memory_space<vmem>>
    %dma_start3A_26 = arith.constant 0 : i32
    %dma_start3A_27 = tpu.memref_slice %arg5[%dma_start3A_22, %dma_start3A_26] : memref<16x128xi32, #tpu.memory_space<vmem>> -> memref<1x128xi32, #tpu.memory_space<vmem>>
    %dma_start3A_28 = tpu.memref_squeeze %dma_start3A_27 : memref<1x128xi32, #tpu.memory_space<vmem>> -> memref<128xi32, #tpu.memory_space<vmem>>
    %dma_start3A_29 = arith.constant 0 : i32
    %dma_start3A_30 = arith.constant 0 : i32
    %dma_start3A_31 = tpu.memref_slice %arg3[%dma_start3A_29, %dma_start3A_30] : memref<50000x128xf32, #tpu.memory_space<hbm>> -> memref<50000x128xf32, #tpu.memory_space<hbm>>
    tpu.enqueue_indirect_dma source(%dma_start3A_31 : memref<50000x128xf32, #tpu.memory_space<hbm>>) target(%dma_start3A_25 : memref<128x128xf32, #tpu.memory_space<vmem>>) offsets(%dma_start3A_28 : memref<128xi32, #tpu.memory_space<vmem>>) semaphore(%arg7 : memref<!tpu.dma_semaphore, #tpu.memory_space<semaphore_mem>>)
    %dma_start3A_32 = arith.constant 3 : i32
    %dma_start3A_33 = arith.constant 384 : i32
    %dma_start3A_34 = arith.constant 0 : i32
    %dma_start3A_35 = tpu.memref_slice %arg6[%dma_start3A_33, %dma_start3A_34] : memref<512x128xf32, #tpu.memory_space<vmem>> -> memref<128x128xf32, #tpu.memory_space<vmem>>
    %dma_start3A_36 = arith.constant 0 : i32
    %dma_start3A_37 = tpu.memref_slice %arg5[%dma_start3A_32, %dma_start3A_36] : memref<16x128xi32, #tpu.memory_space<vmem>> -> memref<1x128xi32, #tpu.memory_space<vmem>>
    %dma_start3A_38 = tpu.memref_squeeze %dma_start3A_37 : memref<1x128xi32, #tpu.memory_space<vmem>> -> memref<128xi32, #tpu.memory_space<vmem>>
    %dma_start3A_39 = arith.constant 0 : i32
    %dma_start3A_40 = arith.constant 0 : i32
    %dma_start3A_41 = tpu.memref_slice %arg3[%dma_start3A_39, %dma_start3A_40] : memref<50000x128xf32, #tpu.memory_space<hbm>> -> memref<50000x128xf32, #tpu.memory_space<hbm>>
    tpu.enqueue_indirect_dma source(%dma_start3A_41 : memref<50000x128xf32, #tpu.memory_space<hbm>>) target(%dma_start3A_35 : memref<128x128xf32, #tpu.memory_space<vmem>>) offsets(%dma_start3A_38 : memref<128xi32, #tpu.memory_space<vmem>>) semaphore(%arg7 : memref<!tpu.dma_semaphore, #tpu.memory_space<semaphore_mem>>)
    %dma_wait3A = arith.constant 0 : i32
    %dma_wait3A_42 = arith.constant 0 : i32
    %dma_wait3A_43 = tpu.memref_slice %arg4[%dma_wait3A, %dma_wait3A_42] : memref<65536x128xf32, #tpu.memory_space<hbm>> -> memref<512x128xf32, #tpu.memory_space<hbm>>
    %dma_wait3A_44 = arith.constant 0 : i32
    %dma_wait3A_45 = arith.constant 0 : i32
    %dma_wait3A_46 = tpu.memref_slice %arg4[%dma_wait3A_44, %dma_wait3A_45] : memref<65536x128xf32, #tpu.memory_space<hbm>> -> memref<512x128xf32, #tpu.memory_space<hbm>>
    tpu.wait_dma2 semaphore(%arg7 : memref<!tpu.dma_semaphore, #tpu.memory_space<semaphore_mem>>) src(%dma_wait3A_46 : memref<512x128xf32, #tpu.memory_space<hbm>>) dst(%arg6 : memref<512x128xf32, #tpu.memory_space<vmem>>)
    %add3A_47 = arith.constant 0 : i32
    %add3A_48 = arith.addi %mul3A_2, %add3A_47 : i32
    %mul3A_49 = arith.constant 128 : i32
    %mul3A_50 = arith.muli %add3A_48, %mul3A_49 : i32
    "tpu.region"() ({
      %run_scoped3A = tpu.sem_alloc : memref<!tpu.dma_semaphore, #tpu.memory_space<semaphore_mem>>
      %dma_start3A_201 = arith.constant 0 : i32
      %dma_start3A_202 = tpu.memref_slice %arg4[%mul3A_50, %dma_start3A_201] : memref<65536x128xf32, #tpu.memory_space<hbm>> -> memref<512x128xf32, #tpu.memory_space<hbm>>
      %dma_start3A_203 = arith.constant 0 : i32
      %dma_start3A_204 = tpu.memref_slice %arg4[%mul3A_50, %dma_start3A_203] : memref<65536x128xf32, #tpu.memory_space<hbm>> -> memref<512x128xf32, #tpu.memory_space<hbm>>
      tpu.enqueue_dma source(%arg6 : memref<512x128xf32, #tpu.memory_space<vmem>>) target(%dma_start3A_204 : memref<512x128xf32, #tpu.memory_space<hbm>>) target_semaphore(%run_scoped3A : memref<!tpu.dma_semaphore, #tpu.memory_space<semaphore_mem>>)
      %dma_wait3A_205 = arith.constant 0 : i32
      %dma_wait3A_206 = tpu.memref_slice %arg4[%mul3A_50, %dma_wait3A_205] : memref<65536x128xf32, #tpu.memory_space<hbm>> -> memref<512x128xf32, #tpu.memory_space<hbm>>
      %dma_wait3A_207 = arith.constant 0 : i32
      %dma_wait3A_208 = tpu.memref_slice %arg4[%mul3A_50, %dma_wait3A_207] : memref<65536x128xf32, #tpu.memory_space<hbm>> -> memref<512x128xf32, #tpu.memory_space<hbm>>
      tpu.wait_dma2 semaphore(%run_scoped3A : memref<!tpu.dma_semaphore, #tpu.memory_space<semaphore_mem>>) src(%arg6 : memref<512x128xf32, #tpu.memory_space<vmem>>) dst(%dma_wait3A_208 : memref<512x128xf32, #tpu.memory_space<hbm>>)
      tpu.yield
    }) : () -> ()
    %dma_start3A_51 = arith.constant 4 : i32
    %dma_start3A_52 = arith.constant 0 : i32
    %dma_start3A_53 = arith.constant 0 : i32
    %dma_start3A_54 = tpu.memref_slice %arg6[%dma_start3A_52, %dma_start3A_53] : memref<512x128xf32, #tpu.memory_space<vmem>> -> memref<128x128xf32, #tpu.memory_space<vmem>>
    %dma_start3A_55 = arith.constant 0 : i32
    %dma_start3A_56 = tpu.memref_slice %arg5[%dma_start3A_51, %dma_start3A_55] : memref<16x128xi32, #tpu.memory_space<vmem>> -> memref<1x128xi32, #tpu.memory_space<vmem>>
    %dma_start3A_57 = tpu.memref_squeeze %dma_start3A_56 : memref<1x128xi32, #tpu.memory_space<vmem>> -> memref<128xi32, #tpu.memory_space<vmem>>
    %dma_start3A_58 = arith.constant 0 : i32
    %dma_start3A_59 = arith.constant 0 : i32
    %dma_start3A_60 = tpu.memref_slice %arg3[%dma_start3A_58, %dma_start3A_59] : memref<50000x128xf32, #tpu.memory_space<hbm>> -> memref<50000x128xf32, #tpu.memory_space<hbm>>
    tpu.enqueue_indirect_dma source(%dma_start3A_60 : memref<50000x128xf32, #tpu.memory_space<hbm>>) target(%dma_start3A_54 : memref<128x128xf32, #tpu.memory_space<vmem>>) offsets(%dma_start3A_57 : memref<128xi32, #tpu.memory_space<vmem>>) semaphore(%arg7 : memref<!tpu.dma_semaphore, #tpu.memory_space<semaphore_mem>>)
    %dma_start3A_61 = arith.constant 5 : i32
    %dma_start3A_62 = arith.constant 128 : i32
    %dma_start3A_63 = arith.constant 0 : i32
    %dma_start3A_64 = tpu.memref_slice %arg6[%dma_start3A_62, %dma_start3A_63] : memref<512x128xf32, #tpu.memory_space<vmem>> -> memref<128x128xf32, #tpu.memory_space<vmem>>
    %dma_start3A_65 = arith.constant 0 : i32
    %dma_start3A_66 = tpu.memref_slice %arg5[%dma_start3A_61, %dma_start3A_65] : memref<16x128xi32, #tpu.memory_space<vmem>> -> memref<1x128xi32, #tpu.memory_space<vmem>>
    %dma_start3A_67 = tpu.memref_squeeze %dma_start3A_66 : memref<1x128xi32, #tpu.memory_space<vmem>> -> memref<128xi32, #tpu.memory_space<vmem>>
    %dma_start3A_68 = arith.constant 0 : i32
    %dma_start3A_69 = arith.constant 0 : i32
    %dma_start3A_70 = tpu.memref_slice %arg3[%dma_start3A_68, %dma_start3A_69] : memref<50000x128xf32, #tpu.memory_space<hbm>> -> memref<50000x128xf32, #tpu.memory_space<hbm>>
    tpu.enqueue_indirect_dma source(%dma_start3A_70 : memref<50000x128xf32, #tpu.memory_space<hbm>>) target(%dma_start3A_64 : memref<128x128xf32, #tpu.memory_space<vmem>>) offsets(%dma_start3A_67 : memref<128xi32, #tpu.memory_space<vmem>>) semaphore(%arg7 : memref<!tpu.dma_semaphore, #tpu.memory_space<semaphore_mem>>)
    %dma_start3A_71 = arith.constant 6 : i32
    %dma_start3A_72 = arith.constant 256 : i32
    %dma_start3A_73 = arith.constant 0 : i32
    %dma_start3A_74 = tpu.memref_slice %arg6[%dma_start3A_72, %dma_start3A_73] : memref<512x128xf32, #tpu.memory_space<vmem>> -> memref<128x128xf32, #tpu.memory_space<vmem>>
    %dma_start3A_75 = arith.constant 0 : i32
    %dma_start3A_76 = tpu.memref_slice %arg5[%dma_start3A_71, %dma_start3A_75] : memref<16x128xi32, #tpu.memory_space<vmem>> -> memref<1x128xi32, #tpu.memory_space<vmem>>
    %dma_start3A_77 = tpu.memref_squeeze %dma_start3A_76 : memref<1x128xi32, #tpu.memory_space<vmem>> -> memref<128xi32, #tpu.memory_space<vmem>>
    %dma_start3A_78 = arith.constant 0 : i32
    %dma_start3A_79 = arith.constant 0 : i32
    %dma_start3A_80 = tpu.memref_slice %arg3[%dma_start3A_78, %dma_start3A_79] : memref<50000x128xf32, #tpu.memory_space<hbm>> -> memref<50000x128xf32, #tpu.memory_space<hbm>>
    tpu.enqueue_indirect_dma source(%dma_start3A_80 : memref<50000x128xf32, #tpu.memory_space<hbm>>) target(%dma_start3A_74 : memref<128x128xf32, #tpu.memory_space<vmem>>) offsets(%dma_start3A_77 : memref<128xi32, #tpu.memory_space<vmem>>) semaphore(%arg7 : memref<!tpu.dma_semaphore, #tpu.memory_space<semaphore_mem>>)
    %dma_start3A_81 = arith.constant 7 : i32
    %dma_start3A_82 = arith.constant 384 : i32
    %dma_start3A_83 = arith.constant 0 : i32
    %dma_start3A_84 = tpu.memref_slice %arg6[%dma_start3A_82, %dma_start3A_83] : memref<512x128xf32, #tpu.memory_space<vmem>> -> memref<128x128xf32, #tpu.memory_space<vmem>>
    %dma_start3A_85 = arith.constant 0 : i32
    %dma_start3A_86 = tpu.memref_slice %arg5[%dma_start3A_81, %dma_start3A_85] : memref<16x128xi32, #tpu.memory_space<vmem>> -> memref<1x128xi32, #tpu.memory_space<vmem>>
    %dma_start3A_87 = tpu.memref_squeeze %dma_start3A_86 : memref<1x128xi32, #tpu.memory_space<vmem>> -> memref<128xi32, #tpu.memory_space<vmem>>
    %dma_start3A_88 = arith.constant 0 : i32
    %dma_start3A_89 = arith.constant 0 : i32
    %dma_start3A_90 = tpu.memref_slice %arg3[%dma_start3A_88, %dma_start3A_89] : memref<50000x128xf32, #tpu.memory_space<hbm>> -> memref<50000x128xf32, #tpu.memory_space<hbm>>
    tpu.enqueue_indirect_dma source(%dma_start3A_90 : memref<50000x128xf32, #tpu.memory_space<hbm>>) target(%dma_start3A_84 : memref<128x128xf32, #tpu.memory_space<vmem>>) offsets(%dma_start3A_87 : memref<128xi32, #tpu.memory_space<vmem>>) semaphore(%arg7 : memref<!tpu.dma_semaphore, #tpu.memory_space<semaphore_mem>>)
    %dma_wait3A_91 = arith.constant 0 : i32
    %dma_wait3A_92 = arith.constant 0 : i32
    %dma_wait3A_93 = tpu.memref_slice %arg4[%dma_wait3A_91, %dma_wait3A_92] : memref<65536x128xf32, #tpu.memory_space<hbm>> -> memref<512x128xf32, #tpu.memory_space<hbm>>
    %dma_wait3A_94 = arith.constant 0 : i32
    %dma_wait3A_95 = arith.constant 0 : i32
    %dma_wait3A_96 = tpu.memref_slice %arg4[%dma_wait3A_94, %dma_wait3A_95] : memref<65536x128xf32, #tpu.memory_space<hbm>> -> memref<512x128xf32, #tpu.memory_space<hbm>>
    tpu.wait_dma2 semaphore(%arg7 : memref<!tpu.dma_semaphore, #tpu.memory_space<semaphore_mem>>) src(%dma_wait3A_96 : memref<512x128xf32, #tpu.memory_space<hbm>>) dst(%arg6 : memref<512x128xf32, #tpu.memory_space<vmem>>)
    %add3A_97 = arith.constant 4 : i32
    %add3A_98 = arith.addi %mul3A_2, %add3A_97 : i32
    %mul3A_99 = arith.constant 128 : i32
    %mul3A_100 = arith.muli %add3A_98, %mul3A_99 : i32
    "tpu.region"() ({
      %run_scoped3A = tpu.sem_alloc : memref<!tpu.dma_semaphore, #tpu.memory_space<semaphore_mem>>
      %dma_start3A_201 = arith.constant 0 : i32
      %dma_start3A_202 = tpu.memref_slice %arg4[%mul3A_100, %dma_start3A_201] : memref<65536x128xf32, #tpu.memory_space<hbm>> -> memref<512x128xf32, #tpu.memory_space<hbm>>
      %dma_start3A_203 = arith.constant 0 : i32
      %dma_start3A_204 = tpu.memref_slice %arg4[%mul3A_100, %dma_start3A_203] : memref<65536x128xf32, #tpu.memory_space<hbm>> -> memref<512x128xf32, #tpu.memory_space<hbm>>
      tpu.enqueue_dma source(%arg6 : memref<512x128xf32, #tpu.memory_space<vmem>>) target(%dma_start3A_204 : memref<512x128xf32, #tpu.memory_space<hbm>>) target_semaphore(%run_scoped3A : memref<!tpu.dma_semaphore, #tpu.memory_space<semaphore_mem>>)
      %dma_wait3A_205 = arith.constant 0 : i32
      %dma_wait3A_206 = tpu.memref_slice %arg4[%mul3A_100, %dma_wait3A_205] : memref<65536x128xf32, #tpu.memory_space<hbm>> -> memref<512x128xf32, #tpu.memory_space<hbm>>
      %dma_wait3A_207 = arith.constant 0 : i32
      %dma_wait3A_208 = tpu.memref_slice %arg4[%mul3A_100, %dma_wait3A_207] : memref<65536x128xf32, #tpu.memory_space<hbm>> -> memref<512x128xf32, #tpu.memory_space<hbm>>
      tpu.wait_dma2 semaphore(%run_scoped3A : memref<!tpu.dma_semaphore, #tpu.memory_space<semaphore_mem>>) src(%arg6 : memref<512x128xf32, #tpu.memory_space<vmem>>) dst(%dma_wait3A_208 : memref<512x128xf32, #tpu.memory_space<hbm>>)
      tpu.yield
    }) : () -> ()
    %dma_start3A_101 = arith.constant 8 : i32
    %dma_start3A_102 = arith.constant 0 : i32
    %dma_start3A_103 = arith.constant 0 : i32
    %dma_start3A_104 = tpu.memref_slice %arg6[%dma_start3A_102, %dma_start3A_103] : memref<512x128xf32, #tpu.memory_space<vmem>> -> memref<128x128xf32, #tpu.memory_space<vmem>>
    %dma_start3A_105 = arith.constant 0 : i32
    %dma_start3A_106 = tpu.memref_slice %arg5[%dma_start3A_101, %dma_start3A_105] : memref<16x128xi32, #tpu.memory_space<vmem>> -> memref<1x128xi32, #tpu.memory_space<vmem>>
    %dma_start3A_107 = tpu.memref_squeeze %dma_start3A_106 : memref<1x128xi32, #tpu.memory_space<vmem>> -> memref<128xi32, #tpu.memory_space<vmem>>
    %dma_start3A_108 = arith.constant 0 : i32
    %dma_start3A_109 = arith.constant 0 : i32
    %dma_start3A_110 = tpu.memref_slice %arg3[%dma_start3A_108, %dma_start3A_109] : memref<50000x128xf32, #tpu.memory_space<hbm>> -> memref<50000x128xf32, #tpu.memory_space<hbm>>
    tpu.enqueue_indirect_dma source(%dma_start3A_110 : memref<50000x128xf32, #tpu.memory_space<hbm>>) target(%dma_start3A_104 : memref<128x128xf32, #tpu.memory_space<vmem>>) offsets(%dma_start3A_107 : memref<128xi32, #tpu.memory_space<vmem>>) semaphore(%arg7 : memref<!tpu.dma_semaphore, #tpu.memory_space<semaphore_mem>>)
    %dma_start3A_111 = arith.constant 9 : i32
    %dma_start3A_112 = arith.constant 128 : i32
    %dma_start3A_113 = arith.constant 0 : i32
    %dma_start3A_114 = tpu.memref_slice %arg6[%dma_start3A_112, %dma_start3A_113] : memref<512x128xf32, #tpu.memory_space<vmem>> -> memref<128x128xf32, #tpu.memory_space<vmem>>
    %dma_start3A_115 = arith.constant 0 : i32
    %dma_start3A_116 = tpu.memref_slice %arg5[%dma_start3A_111, %dma_start3A_115] : memref<16x128xi32, #tpu.memory_space<vmem>> -> memref<1x128xi32, #tpu.memory_space<vmem>>
    %dma_start3A_117 = tpu.memref_squeeze %dma_start3A_116 : memref<1x128xi32, #tpu.memory_space<vmem>> -> memref<128xi32, #tpu.memory_space<vmem>>
    %dma_start3A_118 = arith.constant 0 : i32
    %dma_start3A_119 = arith.constant 0 : i32
    %dma_start3A_120 = tpu.memref_slice %arg3[%dma_start3A_118, %dma_start3A_119] : memref<50000x128xf32, #tpu.memory_space<hbm>> -> memref<50000x128xf32, #tpu.memory_space<hbm>>
    tpu.enqueue_indirect_dma source(%dma_start3A_120 : memref<50000x128xf32, #tpu.memory_space<hbm>>) target(%dma_start3A_114 : memref<128x128xf32, #tpu.memory_space<vmem>>) offsets(%dma_start3A_117 : memref<128xi32, #tpu.memory_space<vmem>>) semaphore(%arg7 : memref<!tpu.dma_semaphore, #tpu.memory_space<semaphore_mem>>)
    %dma_start3A_121 = arith.constant 10 : i32
    %dma_start3A_122 = arith.constant 256 : i32
    %dma_start3A_123 = arith.constant 0 : i32
    %dma_start3A_124 = tpu.memref_slice %arg6[%dma_start3A_122, %dma_start3A_123] : memref<512x128xf32, #tpu.memory_space<vmem>> -> memref<128x128xf32, #tpu.memory_space<vmem>>
    %dma_start3A_125 = arith.constant 0 : i32
    %dma_start3A_126 = tpu.memref_slice %arg5[%dma_start3A_121, %dma_start3A_125] : memref<16x128xi32, #tpu.memory_space<vmem>> -> memref<1x128xi32, #tpu.memory_space<vmem>>
    %dma_start3A_127 = tpu.memref_squeeze %dma_start3A_126 : memref<1x128xi32, #tpu.memory_space<vmem>> -> memref<128xi32, #tpu.memory_space<vmem>>
    %dma_start3A_128 = arith.constant 0 : i32
    %dma_start3A_129 = arith.constant 0 : i32
    %dma_start3A_130 = tpu.memref_slice %arg3[%dma_start3A_128, %dma_start3A_129] : memref<50000x128xf32, #tpu.memory_space<hbm>> -> memref<50000x128xf32, #tpu.memory_space<hbm>>
    tpu.enqueue_indirect_dma source(%dma_start3A_130 : memref<50000x128xf32, #tpu.memory_space<hbm>>) target(%dma_start3A_124 : memref<128x128xf32, #tpu.memory_space<vmem>>) offsets(%dma_start3A_127 : memref<128xi32, #tpu.memory_space<vmem>>) semaphore(%arg7 : memref<!tpu.dma_semaphore, #tpu.memory_space<semaphore_mem>>)
    %dma_start3A_131 = arith.constant 11 : i32
    %dma_start3A_132 = arith.constant 384 : i32
    %dma_start3A_133 = arith.constant 0 : i32
    %dma_start3A_134 = tpu.memref_slice %arg6[%dma_start3A_132, %dma_start3A_133] : memref<512x128xf32, #tpu.memory_space<vmem>> -> memref<128x128xf32, #tpu.memory_space<vmem>>
    %dma_start3A_135 = arith.constant 0 : i32
    %dma_start3A_136 = tpu.memref_slice %arg5[%dma_start3A_131, %dma_start3A_135] : memref<16x128xi32, #tpu.memory_space<vmem>> -> memref<1x128xi32, #tpu.memory_space<vmem>>
    %dma_start3A_137 = tpu.memref_squeeze %dma_start3A_136 : memref<1x128xi32, #tpu.memory_space<vmem>> -> memref<128xi32, #tpu.memory_space<vmem>>
    %dma_start3A_138 = arith.constant 0 : i32
    %dma_start3A_139 = arith.constant 0 : i32
    %dma_start3A_140 = tpu.memref_slice %arg3[%dma_start3A_138, %dma_start3A_139] : memref<50000x128xf32, #tpu.memory_space<hbm>> -> memref<50000x128xf32, #tpu.memory_space<hbm>>
    tpu.enqueue_indirect_dma source(%dma_start3A_140 : memref<50000x128xf32, #tpu.memory_space<hbm>>) target(%dma_start3A_134 : memref<128x128xf32, #tpu.memory_space<vmem>>) offsets(%dma_start3A_137 : memref<128xi32, #tpu.memory_space<vmem>>) semaphore(%arg7 : memref<!tpu.dma_semaphore, #tpu.memory_space<semaphore_mem>>)
    %dma_wait3A_141 = arith.constant 0 : i32
    %dma_wait3A_142 = arith.constant 0 : i32
    %dma_wait3A_143 = tpu.memref_slice %arg4[%dma_wait3A_141, %dma_wait3A_142] : memref<65536x128xf32, #tpu.memory_space<hbm>> -> memref<512x128xf32, #tpu.memory_space<hbm>>
    %dma_wait3A_144 = arith.constant 0 : i32
    %dma_wait3A_145 = arith.constant 0 : i32
    %dma_wait3A_146 = tpu.memref_slice %arg4[%dma_wait3A_144, %dma_wait3A_145] : memref<65536x128xf32, #tpu.memory_space<hbm>> -> memref<512x128xf32, #tpu.memory_space<hbm>>
    tpu.wait_dma2 semaphore(%arg7 : memref<!tpu.dma_semaphore, #tpu.memory_space<semaphore_mem>>) src(%dma_wait3A_146 : memref<512x128xf32, #tpu.memory_space<hbm>>) dst(%arg6 : memref<512x128xf32, #tpu.memory_space<vmem>>)
    %add3A_147 = arith.constant 8 : i32
    %add3A_148 = arith.addi %mul3A_2, %add3A_147 : i32
    %mul3A_149 = arith.constant 128 : i32
    %mul3A_150 = arith.muli %add3A_148, %mul3A_149 : i32
    "tpu.region"() ({
      %run_scoped3A = tpu.sem_alloc : memref<!tpu.dma_semaphore, #tpu.memory_space<semaphore_mem>>
      %dma_start3A_201 = arith.constant 0 : i32
      %dma_start3A_202 = tpu.memref_slice %arg4[%mul3A_150, %dma_start3A_201] : memref<65536x128xf32, #tpu.memory_space<hbm>> -> memref<512x128xf32, #tpu.memory_space<hbm>>
      %dma_start3A_203 = arith.constant 0 : i32
      %dma_start3A_204 = tpu.memref_slice %arg4[%mul3A_150, %dma_start3A_203] : memref<65536x128xf32, #tpu.memory_space<hbm>> -> memref<512x128xf32, #tpu.memory_space<hbm>>
      tpu.enqueue_dma source(%arg6 : memref<512x128xf32, #tpu.memory_space<vmem>>) target(%dma_start3A_204 : memref<512x128xf32, #tpu.memory_space<hbm>>) target_semaphore(%run_scoped3A : memref<!tpu.dma_semaphore, #tpu.memory_space<semaphore_mem>>)
      %dma_wait3A_205 = arith.constant 0 : i32
      %dma_wait3A_206 = tpu.memref_slice %arg4[%mul3A_150, %dma_wait3A_205] : memref<65536x128xf32, #tpu.memory_space<hbm>> -> memref<512x128xf32, #tpu.memory_space<hbm>>
      %dma_wait3A_207 = arith.constant 0 : i32
      %dma_wait3A_208 = tpu.memref_slice %arg4[%mul3A_150, %dma_wait3A_207] : memref<65536x128xf32, #tpu.memory_space<hbm>> -> memref<512x128xf32, #tpu.memory_space<hbm>>
      tpu.wait_dma2 semaphore(%run_scoped3A : memref<!tpu.dma_semaphore, #tpu.memory_space<semaphore_mem>>) src(%arg6 : memref<512x128xf32, #tpu.memory_space<vmem>>) dst(%dma_wait3A_208 : memref<512x128xf32, #tpu.memory_space<hbm>>)
      tpu.yield
    }) : () -> ()
    %dma_start3A_151 = arith.constant 12 : i32
    %dma_start3A_152 = arith.constant 0 : i32
    %dma_start3A_153 = arith.constant 0 : i32
    %dma_start3A_154 = tpu.memref_slice %arg6[%dma_start3A_152, %dma_start3A_153] : memref<512x128xf32, #tpu.memory_space<vmem>> -> memref<128x128xf32, #tpu.memory_space<vmem>>
    %dma_start3A_155 = arith.constant 0 : i32
    %dma_start3A_156 = tpu.memref_slice %arg5[%dma_start3A_151, %dma_start3A_155] : memref<16x128xi32, #tpu.memory_space<vmem>> -> memref<1x128xi32, #tpu.memory_space<vmem>>
    %dma_start3A_157 = tpu.memref_squeeze %dma_start3A_156 : memref<1x128xi32, #tpu.memory_space<vmem>> -> memref<128xi32, #tpu.memory_space<vmem>>
    %dma_start3A_158 = arith.constant 0 : i32
    %dma_start3A_159 = arith.constant 0 : i32
    %dma_start3A_160 = tpu.memref_slice %arg3[%dma_start3A_158, %dma_start3A_159] : memref<50000x128xf32, #tpu.memory_space<hbm>> -> memref<50000x128xf32, #tpu.memory_space<hbm>>
    tpu.enqueue_indirect_dma source(%dma_start3A_160 : memref<50000x128xf32, #tpu.memory_space<hbm>>) target(%dma_start3A_154 : memref<128x128xf32, #tpu.memory_space<vmem>>) offsets(%dma_start3A_157 : memref<128xi32, #tpu.memory_space<vmem>>) semaphore(%arg7 : memref<!tpu.dma_semaphore, #tpu.memory_space<semaphore_mem>>)
    %dma_start3A_161 = arith.constant 13 : i32
    %dma_start3A_162 = arith.constant 128 : i32
    %dma_start3A_163 = arith.constant 0 : i32
    %dma_start3A_164 = tpu.memref_slice %arg6[%dma_start3A_162, %dma_start3A_163] : memref<512x128xf32, #tpu.memory_space<vmem>> -> memref<128x128xf32, #tpu.memory_space<vmem>>
    %dma_start3A_165 = arith.constant 0 : i32
    %dma_start3A_166 = tpu.memref_slice %arg5[%dma_start3A_161, %dma_start3A_165] : memref<16x128xi32, #tpu.memory_space<vmem>> -> memref<1x128xi32, #tpu.memory_space<vmem>>
    %dma_start3A_167 = tpu.memref_squeeze %dma_start3A_166 : memref<1x128xi32, #tpu.memory_space<vmem>> -> memref<128xi32, #tpu.memory_space<vmem>>
    %dma_start3A_168 = arith.constant 0 : i32
    %dma_start3A_169 = arith.constant 0 : i32
    %dma_start3A_170 = tpu.memref_slice %arg3[%dma_start3A_168, %dma_start3A_169] : memref<50000x128xf32, #tpu.memory_space<hbm>> -> memref<50000x128xf32, #tpu.memory_space<hbm>>
    tpu.enqueue_indirect_dma source(%dma_start3A_170 : memref<50000x128xf32, #tpu.memory_space<hbm>>) target(%dma_start3A_164 : memref<128x128xf32, #tpu.memory_space<vmem>>) offsets(%dma_start3A_167 : memref<128xi32, #tpu.memory_space<vmem>>) semaphore(%arg7 : memref<!tpu.dma_semaphore, #tpu.memory_space<semaphore_mem>>)
    %dma_start3A_171 = arith.constant 14 : i32
    %dma_start3A_172 = arith.constant 256 : i32
    %dma_start3A_173 = arith.constant 0 : i32
    %dma_start3A_174 = tpu.memref_slice %arg6[%dma_start3A_172, %dma_start3A_173] : memref<512x128xf32, #tpu.memory_space<vmem>> -> memref<128x128xf32, #tpu.memory_space<vmem>>
    %dma_start3A_175 = arith.constant 0 : i32
    %dma_start3A_176 = tpu.memref_slice %arg5[%dma_start3A_171, %dma_start3A_175] : memref<16x128xi32, #tpu.memory_space<vmem>> -> memref<1x128xi32, #tpu.memory_space<vmem>>
    %dma_start3A_177 = tpu.memref_squeeze %dma_start3A_176 : memref<1x128xi32, #tpu.memory_space<vmem>> -> memref<128xi32, #tpu.memory_space<vmem>>
    %dma_start3A_178 = arith.constant 0 : i32
    %dma_start3A_179 = arith.constant 0 : i32
    %dma_start3A_180 = tpu.memref_slice %arg3[%dma_start3A_178, %dma_start3A_179] : memref<50000x128xf32, #tpu.memory_space<hbm>> -> memref<50000x128xf32, #tpu.memory_space<hbm>>
    tpu.enqueue_indirect_dma source(%dma_start3A_180 : memref<50000x128xf32, #tpu.memory_space<hbm>>) target(%dma_start3A_174 : memref<128x128xf32, #tpu.memory_space<vmem>>) offsets(%dma_start3A_177 : memref<128xi32, #tpu.memory_space<vmem>>) semaphore(%arg7 : memref<!tpu.dma_semaphore, #tpu.memory_space<semaphore_mem>>)
    %dma_start3A_181 = arith.constant 15 : i32
    %dma_start3A_182 = arith.constant 384 : i32
    %dma_start3A_183 = arith.constant 0 : i32
    %dma_start3A_184 = tpu.memref_slice %arg6[%dma_start3A_182, %dma_start3A_183] : memref<512x128xf32, #tpu.memory_space<vmem>> -> memref<128x128xf32, #tpu.memory_space<vmem>>
    %dma_start3A_185 = arith.constant 0 : i32
    %dma_start3A_186 = tpu.memref_slice %arg5[%dma_start3A_181, %dma_start3A_185] : memref<16x128xi32, #tpu.memory_space<vmem>> -> memref<1x128xi32, #tpu.memory_space<vmem>>
    %dma_start3A_187 = tpu.memref_squeeze %dma_start3A_186 : memref<1x128xi32, #tpu.memory_space<vmem>> -> memref<128xi32, #tpu.memory_space<vmem>>
    %dma_start3A_188 = arith.constant 0 : i32
    %dma_start3A_189 = arith.constant 0 : i32
    %dma_start3A_190 = tpu.memref_slice %arg3[%dma_start3A_188, %dma_start3A_189] : memref<50000x128xf32, #tpu.memory_space<hbm>> -> memref<50000x128xf32, #tpu.memory_space<hbm>>
    tpu.enqueue_indirect_dma source(%dma_start3A_190 : memref<50000x128xf32, #tpu.memory_space<hbm>>) target(%dma_start3A_184 : memref<128x128xf32, #tpu.memory_space<vmem>>) offsets(%dma_start3A_187 : memref<128xi32, #tpu.memory_space<vmem>>) semaphore(%arg7 : memref<!tpu.dma_semaphore, #tpu.memory_space<semaphore_mem>>)
    %dma_wait3A_191 = arith.constant 0 : i32
    %dma_wait3A_192 = arith.constant 0 : i32
    %dma_wait3A_193 = tpu.memref_slice %arg4[%dma_wait3A_191, %dma_wait3A_192] : memref<65536x128xf32, #tpu.memory_space<hbm>> -> memref<512x128xf32, #tpu.memory_space<hbm>>
    %dma_wait3A_194 = arith.constant 0 : i32
    %dma_wait3A_195 = arith.constant 0 : i32
    %dma_wait3A_196 = tpu.memref_slice %arg4[%dma_wait3A_194, %dma_wait3A_195] : memref<65536x128xf32, #tpu.memory_space<hbm>> -> memref<512x128xf32, #tpu.memory_space<hbm>>
    tpu.wait_dma2 semaphore(%arg7 : memref<!tpu.dma_semaphore, #tpu.memory_space<semaphore_mem>>) src(%dma_wait3A_196 : memref<512x128xf32, #tpu.memory_space<hbm>>) dst(%arg6 : memref<512x128xf32, #tpu.memory_space<vmem>>)
    %add3A_197 = arith.constant 12 : i32
    %add3A_198 = arith.addi %mul3A_2, %add3A_197 : i32
    %mul3A_199 = arith.constant 128 : i32
    %mul3A_200 = arith.muli %add3A_198, %mul3A_199 : i32
    "tpu.region"() ({
      %run_scoped3A = tpu.sem_alloc : memref<!tpu.dma_semaphore, #tpu.memory_space<semaphore_mem>>
      %dma_start3A_201 = arith.constant 0 : i32
      %dma_start3A_202 = tpu.memref_slice %arg4[%mul3A_200, %dma_start3A_201] : memref<65536x128xf32, #tpu.memory_space<hbm>> -> memref<512x128xf32, #tpu.memory_space<hbm>>
      %dma_start3A_203 = arith.constant 0 : i32
      %dma_start3A_204 = tpu.memref_slice %arg4[%mul3A_200, %dma_start3A_203] : memref<65536x128xf32, #tpu.memory_space<hbm>> -> memref<512x128xf32, #tpu.memory_space<hbm>>
      tpu.enqueue_dma source(%arg6 : memref<512x128xf32, #tpu.memory_space<vmem>>) target(%dma_start3A_204 : memref<512x128xf32, #tpu.memory_space<hbm>>) target_semaphore(%run_scoped3A : memref<!tpu.dma_semaphore, #tpu.memory_space<semaphore_mem>>)
      %dma_wait3A_205 = arith.constant 0 : i32
      %dma_wait3A_206 = tpu.memref_slice %arg4[%mul3A_200, %dma_wait3A_205] : memref<65536x128xf32, #tpu.memory_space<hbm>> -> memref<512x128xf32, #tpu.memory_space<hbm>>
      %dma_wait3A_207 = arith.constant 0 : i32
      %dma_wait3A_208 = tpu.memref_slice %arg4[%mul3A_200, %dma_wait3A_207] : memref<65536x128xf32, #tpu.memory_space<hbm>> -> memref<512x128xf32, #tpu.memory_space<hbm>>
      tpu.wait_dma2 semaphore(%run_scoped3A : memref<!tpu.dma_semaphore, #tpu.memory_space<semaphore_mem>>) src(%arg6 : memref<512x128xf32, #tpu.memory_space<vmem>>) dst(%dma_wait3A_208 : memref<512x128xf32, #tpu.memory_space<hbm>>)
      tpu.yield
    }) : () -> ()
    return
  }
}

module attributes {stable_mosaic.version = 14 : i64} {
  func.func @_tc_body(%arg0: i32, %arg1: memref<3200x128xf32, #tpu.memory_space<vmem>>, %arg2: memref<3200x17xi16, #tpu.memory_space<vmem>>, %arg3: memref<2048x256xbf16, #tpu.memory_space<vmem>>, %arg4: memref<320x768xbf16, #tpu.memory_space<vmem>>, %arg5: memref<1x320xf32, #tpu.memory_space<vmem>>, %arg6: memref<1x320xf32, #tpu.memory_space<vmem>>, %arg7: memref<320x768xbf16, #tpu.memory_space<vmem>>, %arg8: memref<1x320xf32, #tpu.memory_space<vmem>>, %arg9: memref<1x320xf32, #tpu.memory_space<vmem>>, %arg10: memref<64x50x320xf32, #tpu.memory_space<vmem>>) attributes {dimension_semantics = [#tpu.dimension_semantics<arbitrary>], iteration_bounds = array<i64: 16>, scalar_prefetch = 0 : i64, scratch_operands = 0 : i64, tpu.core_type = #tpu.core_type<tc>, window_params = [{transform_indices = @transform_0, window_bounds = array<i64: 3200, 128>}, {transform_indices = @transform_1, window_bounds = array<i64: 3200, 17>}, {pipeline_mode = #tpu.pipeline_mode<synchronous>, transform_indices = @transform_2, window_bounds = array<i64: 2048, 256>}, {pipeline_mode = #tpu.pipeline_mode<synchronous>, transform_indices = @transform_3, window_bounds = array<i64: 320, 768>}, {pipeline_mode = #tpu.pipeline_mode<synchronous>, transform_indices = @transform_4, window_bounds = array<i64: 1, 320>}, {pipeline_mode = #tpu.pipeline_mode<synchronous>, transform_indices = @transform_5, window_bounds = array<i64: 1, 320>}, {pipeline_mode = #tpu.pipeline_mode<synchronous>, transform_indices = @transform_6, window_bounds = array<i64: 320, 768>}, {pipeline_mode = #tpu.pipeline_mode<synchronous>, transform_indices = @transform_7, window_bounds = array<i64: 1, 320>}, {pipeline_mode = #tpu.pipeline_mode<synchronous>, transform_indices = @transform_8, window_bounds = array<i64: 1, 320>}, {transform_indices = @transform_9, window_bounds = array<i64: 64, 50, 320>}]} {
    %get3A = arith.constant 0 : index
    %get3A_0 = arith.constant 0 : index
    %get3A_1 = vector.load %arg2[%get3A, %get3A_0] : memref<3200x17xi16, #tpu.memory_space<vmem>>, vector<3200x17xi16>
    %slice3A = vector.extract_strided_slice %get3A_1 {offsets = [0, 16], sizes = [3200, 1], strides = [1, 1]} : vector<3200x17xi16> to vector<3200x1xi16>
    %get3A_2 = arith.constant 0 : index
    %get3A_3 = arith.constant 0 : index
    %get3A_4 = vector.load %arg1[%get3A_2, %get3A_3] : memref<3200x128xf32, #tpu.memory_space<vmem>>, vector<3200x128xf32>
    %eq3A = arith.constant 0 : i16
    %eq3A_5 = vector.broadcast %eq3A : i16 to vector<3200x1xi16>
    %eq3A_6 = arith.cmpi eq, %slice3A, %eq3A_5 : vector<3200x1xi16>
    %slice3A_7 = vector.extract_strided_slice %get3A_4 {offsets = [0, 0], sizes = [3200, 64], strides = [1, 1]} : vector<3200x128xf32> to vector<3200x64xf32>
    %slice3A_8 = vector.extract_strided_slice %get3A_4 {offsets = [0, 64], sizes = [3200, 64], strides = [1, 1]} : vector<3200x128xf32> to vector<3200x64xf32>
    %broadcast_in_dim3A = vector.shape_cast %eq3A_6 : vector<3200x1xi1> to vector<3200x1xi1>
    %broadcast_in_dim3A_9 = vector.broadcast %broadcast_in_dim3A : vector<3200x1xi1> to vector<3200x64xi1>
    %select_n3A = arith.select %broadcast_in_dim3A_9, %slice3A_7, %slice3A_8 : vector<3200x64xi1>, vector<3200x64xf32>
    %slice3A_10 = vector.extract_strided_slice %get3A_1 {offsets = [0, 0], sizes = [3200, 16], strides = [1, 1]} : vector<3200x17xi16> to vector<3200x16xi16>
    %tile3A = tpu.concatenate %slice3A_10, %slice3A_10, %slice3A_10, %slice3A_10, %slice3A_10, %slice3A_10, %slice3A_10, %slice3A_10, %slice3A_10, %slice3A_10, %slice3A_10, %slice3A_10, %slice3A_10, %slice3A_10, %slice3A_10, %slice3A_10, %slice3A_10, %slice3A_10, %slice3A_10, %slice3A_10, %slice3A_10, %slice3A_10, %slice3A_10, %slice3A_10, %slice3A_10, %slice3A_10, %slice3A_10, %slice3A_10, %slice3A_10, %slice3A_10, %slice3A_10, %slice3A_10, %slice3A_10, %slice3A_10, %slice3A_10, %slice3A_10, %slice3A_10, %slice3A_10, %slice3A_10, %slice3A_10, %slice3A_10, %slice3A_10, %slice3A_10, %slice3A_10, %slice3A_10, %slice3A_10, %slice3A_10, %slice3A_10, %slice3A_10, %slice3A_10, %slice3A_10, %slice3A_10, %slice3A_10, %slice3A_10, %slice3A_10, %slice3A_10, %slice3A_10, %slice3A_10, %slice3A_10, %slice3A_10, %slice3A_10, %slice3A_10, %slice3A_10, %slice3A_10, %slice3A_10, %slice3A_10, %slice3A_10, %slice3A_10, %slice3A_10, %slice3A_10, %slice3A_10, %slice3A_10, %slice3A_10, %slice3A_10, %slice3A_10, %slice3A_10, %slice3A_10, %slice3A_10, %slice3A_10, %slice3A_10, %slice3A_10, %slice3A_10, %slice3A_10, %slice3A_10, %slice3A_10, %slice3A_10, %slice3A_10, %slice3A_10, %slice3A_10, %slice3A_10, %slice3A_10, %slice3A_10, %slice3A_10, %slice3A_10, %slice3A_10, %slice3A_10, %slice3A_10, %slice3A_10, %slice3A_10, %slice3A_10, %slice3A_10, %slice3A_10, %slice3A_10, %slice3A_10, %slice3A_10, %slice3A_10, %slice3A_10, %slice3A_10, %slice3A_10, %slice3A_10, %slice3A_10, %slice3A_10, %slice3A_10, %slice3A_10, %slice3A_10, %slice3A_10, %slice3A_10, %slice3A_10, %slice3A_10, %slice3A_10, %slice3A_10, %slice3A_10, %slice3A_10, %slice3A_10, %slice3A_10, %slice3A_10, %slice3A_10, %slice3A_10 in 1 : vector<3200x16xi16>, vector<3200x16xi16>, vector<3200x16xi16>, vector<3200x16xi16>, vector<3200x16xi16>, vector<3200x16xi16>, vector<3200x16xi16>, vector<3200x16xi16>, vector<3200x16xi16>, vector<3200x16xi16>, vector<3200x16xi16>, vector<3200x16xi16>, vector<3200x16xi16>, vector<3200x16xi16>, vector<3200x16xi16>, vector<3200x16xi16>, vector<3200x16xi16>, vector<3200x16xi16>, vector<3200x16xi16>, vector<3200x16xi16>, vector<3200x16xi16>, vector<3200x16xi16>, vector<3200x16xi16>, vector<3200x16xi16>, vector<3200x16xi16>, vector<3200x16xi16>, vector<3200x16xi16>, vector<3200x16xi16>, vector<3200x16xi16>, vector<3200x16xi16>, vector<3200x16xi16>, vector<3200x16xi16>, vector<3200x16xi16>, vector<3200x16xi16>, vector<3200x16xi16>, vector<3200x16xi16>, vector<3200x16xi16>, vector<3200x16xi16>, vector<3200x16xi16>, vector<3200x16xi16>, vector<3200x16xi16>, vector<3200x16xi16>, vector<3200x16xi16>, vector<3200x16xi16>, vector<3200x16xi16>, vector<3200x16xi16>, vector<3200x16xi16>, vector<3200x16xi16>, vector<3200x16xi16>, vector<3200x16xi16>, vector<3200x16xi16>, vector<3200x16xi16>, vector<3200x16xi16>, vector<3200x16xi16>, vector<3200x16xi16>, vector<3200x16xi16>, vector<3200x16xi16>, vector<3200x16xi16>, vector<3200x16xi16>, vector<3200x16xi16>, vector<3200x16xi16>, vector<3200x16xi16>, vector<3200x16xi16>, vector<3200x16xi16>, vector<3200x16xi16>, vector<3200x16xi16>, vector<3200x16xi16>, vector<3200x16xi16>, vector<3200x16xi16>, vector<3200x16xi16>, vector<3200x16xi16>, vector<3200x16xi16>, vector<3200x16xi16>, vector<3200x16xi16>, vector<3200x16xi16>, vector<3200x16xi16>, vector<3200x16xi16>, vector<3200x16xi16>, vector<3200x16xi16>, vector<3200x16xi16>, vector<3200x16xi16>, vector<3200x16xi16>, vector<3200x16xi16>, vector<3200x16xi16>, vector<3200x16xi16>, vector<3200x16xi16>, vector<3200x16xi16>, vector<3200x16xi16>, vector<3200x16xi16>, vector<3200x16xi16>, vector<3200x16xi16>, vector<3200x16xi16>, vector<3200x16xi16>, vector<3200x16xi16>, vector<3200x16xi16>, vector<3200x16xi16>, vector<3200x16xi16>, vector<3200x16xi16>, vector<3200x16xi16>, vector<3200x16xi16>, vector<3200x16xi16>, vector<3200x16xi16>, vector<3200x16xi16>, vector<3200x16xi16>, vector<3200x16xi16>, vector<3200x16xi16>, vector<3200x16xi16>, vector<3200x16xi16>, vector<3200x16xi16>, vector<3200x16xi16>, vector<3200x16xi16>, vector<3200x16xi16>, vector<3200x16xi16>, vector<3200x16xi16>, vector<3200x16xi16>, vector<3200x16xi16>, vector<3200x16xi16>, vector<3200x16xi16>, vector<3200x16xi16>, vector<3200x16xi16>, vector<3200x16xi16>, vector<3200x16xi16>, vector<3200x16xi16>, vector<3200x16xi16>, vector<3200x16xi16>, vector<3200x16xi16>, vector<3200x16xi16>, vector<3200x16xi16> -> vector<3200x2048xi16>
    %iota3A = tpu.iota {dimensions = array<i32: 1>} : vector<1x2048xi32>
    %shift_right_arithmetic3A = arith.constant 4 : i32
    %shift_right_arithmetic3A_11 = vector.broadcast %shift_right_arithmetic3A : i32 to vector<1x2048xi32>
    %shift_right_arithmetic3A_12 = arith.shrsi %iota3A, %shift_right_arithmetic3A_11 : vector<1x2048xi32>
    %convert_element_type3A = arith.trunci %shift_right_arithmetic3A_12 : vector<1x2048xi32> to vector<1x2048xi16>
    %eq3A_13 = vector.broadcast %convert_element_type3A : vector<1x2048xi16> to vector<3200x2048xi16>
    %eq3A_14 = arith.cmpi eq, %tile3A, %eq3A_13 : vector<3200x2048xi16>
    %jit3A = arith.constant 1.000000e+00 : bf16
    %jit3A_15 = arith.constant 0.000000e+00 : bf16
    %broadcast_in_dim3A_16 = vector.broadcast %jit3A : bf16 to vector<3200x2048xbf16>
    %broadcast_in_dim3A_17 = vector.broadcast %jit3A_15 : bf16 to vector<3200x2048xbf16>
    %select_n3A_18 = arith.select %eq3A_14, %broadcast_in_dim3A_16, %broadcast_in_dim3A_17 : vector<3200x2048xi1>, vector<3200x2048xbf16>
    %get3A_19 = arith.constant 0 : index
    %get3A_20 = arith.constant 0 : index
    %get3A_21 = vector.load %arg3[%get3A_19, %get3A_20] : memref<2048x256xbf16, #tpu.memory_space<vmem>>, vector<2048x256xbf16>
    %dot_general3A = arith.constant dense<0.000000e+00> : vector<3200x256xf32>
    %dot_general3A_22 = tpu.matmul %select_n3A_18, %get3A_21, %dot_general3A {dimension_numbers = #tpu.dot_dimension_numbers<[1], [0], [0], [1], [0, 0, 1, 1], [], []>, transpose_lhs_hint = false} : vector<3200x2048xbf16>, vector<2048x256xbf16>, vector<3200x256xf32> -> vector<3200x256xf32>
    %concatenate3A = tpu.concatenate %select_n3A, %dot_general3A_22 in 1 : vector<3200x64xf32>, vector<3200x256xf32> -> vector<3200x320xf32>
    %convert_element_type3A_23 = arith.truncf %concatenate3A : vector<3200x320xf32> to vector<3200x320xbf16>
    %get3A_24 = arith.constant 0 : index
    %get3A_25 = arith.constant 0 : index
    %get3A_26 = vector.load %arg4[%get3A_24, %get3A_25] : memref<320x768xbf16, #tpu.memory_space<vmem>>, vector<320x768xbf16>
    %dot_general3A_27 = arith.constant dense<0.000000e+00> : vector<3200x768xf32>
    %dot_general3A_28 = tpu.matmul %convert_element_type3A_23, %get3A_26, %dot_general3A_27 {dimension_numbers = #tpu.dot_dimension_numbers<[1], [0], [0], [1], [0, 0, 1, 1], [], []>, transpose_lhs_hint = false} : vector<3200x320xbf16>, vector<320x768xbf16>, vector<3200x768xf32> -> vector<3200x768xf32>
    %slice3A_29 = vector.extract_strided_slice %dot_general3A_28 {offsets = [0, 0], sizes = [3200, 320], strides = [1, 1]} : vector<3200x768xf32> to vector<3200x320xf32>
    %get3A_30 = arith.constant 0 : index
    %get3A_31 = arith.constant 0 : index
    %get3A_32 = vector.load %arg6[%get3A_30, %get3A_31] : memref<1x320xf32, #tpu.memory_space<vmem>>, vector<1x320xf32>
    %add3A = vector.broadcast %get3A_32 : vector<1x320xf32> to vector<3200x320xf32>
    %add3A_33 = arith.addf %slice3A_29, %add3A : vector<3200x320xf32>
    %logistic3A = arith.negf %add3A_33 : vector<3200x320xf32>
    %logistic3A_34 = math.exp %logistic3A : vector<3200x320xf32>
    %logistic3A_35 = arith.constant 1.000000e+00 : f32
    %logistic3A_36 = vector.broadcast %logistic3A_35 : f32 to vector<3200x320xf32>
    %logistic3A_37 = arith.addf %logistic3A_36, %logistic3A_34 : vector<3200x320xf32>
    %logistic3A_38 = arith.divf %logistic3A_36, %logistic3A_37 : vector<3200x320xf32>
    %slice3A_39 = vector.extract_strided_slice %dot_general3A_28 {offsets = [0, 384], sizes = [3200, 320], strides = [1, 1]} : vector<3200x768xf32> to vector<3200x320xf32>
    %get3A_40 = arith.constant 0 : index
    %get3A_41 = arith.constant 0 : index
    %get3A_42 = vector.load %arg5[%get3A_40, %get3A_41] : memref<1x320xf32, #tpu.memory_space<vmem>>, vector<1x320xf32>
    %add3A_43 = vector.broadcast %get3A_42 : vector<1x320xf32> to vector<3200x320xf32>
    %add3A_44 = arith.addf %slice3A_39, %add3A_43 : vector<3200x320xf32>
    %max3A = arith.constant 0.000000e+00 : f32
    %max3A_45 = vector.broadcast %max3A : f32 to vector<3200x320xf32>
    %max3A_46 = arith.maximumf %add3A_44, %max3A_45 : vector<3200x320xf32>
    %sub3A = arith.subf %max3A_46, %concatenate3A : vector<3200x320xf32>
    %mul3A = arith.mulf %logistic3A_38, %sub3A : vector<3200x320xf32>
    %add3A_47 = arith.addf %concatenate3A, %mul3A : vector<3200x320xf32>
    %convert_element_type3A_48 = arith.truncf %add3A_47 : vector<3200x320xf32> to vector<3200x320xbf16>
    %get3A_49 = arith.constant 0 : index
    %get3A_50 = arith.constant 0 : index
    %get3A_51 = vector.load %arg7[%get3A_49, %get3A_50] : memref<320x768xbf16, #tpu.memory_space<vmem>>, vector<320x768xbf16>
    %dot_general3A_52 = arith.constant dense<0.000000e+00> : vector<3200x768xf32>
    %dot_general3A_53 = tpu.matmul %convert_element_type3A_48, %get3A_51, %dot_general3A_52 {dimension_numbers = #tpu.dot_dimension_numbers<[1], [0], [0], [1], [0, 0, 1, 1], [], []>, transpose_lhs_hint = false} : vector<3200x320xbf16>, vector<320x768xbf16>, vector<3200x768xf32> -> vector<3200x768xf32>
    %slice3A_54 = vector.extract_strided_slice %dot_general3A_53 {offsets = [0, 0], sizes = [3200, 320], strides = [1, 1]} : vector<3200x768xf32> to vector<3200x320xf32>
    %get3A_55 = arith.constant 0 : index
    %get3A_56 = arith.constant 0 : index
    %get3A_57 = vector.load %arg9[%get3A_55, %get3A_56] : memref<1x320xf32, #tpu.memory_space<vmem>>, vector<1x320xf32>
    %add3A_58 = vector.broadcast %get3A_57 : vector<1x320xf32> to vector<3200x320xf32>
    %add3A_59 = arith.addf %slice3A_54, %add3A_58 : vector<3200x320xf32>
    %logistic3A_60 = arith.negf %add3A_59 : vector<3200x320xf32>
    %logistic3A_61 = math.exp %logistic3A_60 : vector<3200x320xf32>
    %logistic3A_62 = arith.constant 1.000000e+00 : f32
    %logistic3A_63 = vector.broadcast %logistic3A_62 : f32 to vector<3200x320xf32>
    %logistic3A_64 = arith.addf %logistic3A_63, %logistic3A_61 : vector<3200x320xf32>
    %logistic3A_65 = arith.divf %logistic3A_63, %logistic3A_64 : vector<3200x320xf32>
    %slice3A_66 = vector.extract_strided_slice %dot_general3A_53 {offsets = [0, 384], sizes = [3200, 320], strides = [1, 1]} : vector<3200x768xf32> to vector<3200x320xf32>
    %get3A_67 = arith.constant 0 : index
    %get3A_68 = arith.constant 0 : index
    %get3A_69 = vector.load %arg8[%get3A_67, %get3A_68] : memref<1x320xf32, #tpu.memory_space<vmem>>, vector<1x320xf32>
    %add3A_70 = vector.broadcast %get3A_69 : vector<1x320xf32> to vector<3200x320xf32>
    %add3A_71 = arith.addf %slice3A_66, %add3A_70 : vector<3200x320xf32>
    %max3A_72 = arith.constant 0.000000e+00 : f32
    %max3A_73 = vector.broadcast %max3A_72 : f32 to vector<3200x320xf32>
    %max3A_74 = arith.maximumf %add3A_71, %max3A_73 : vector<3200x320xf32>
    %sub3A_75 = arith.subf %max3A_74, %add3A_47 : vector<3200x320xf32>
    %mul3A_76 = arith.mulf %logistic3A_65, %sub3A_75 : vector<3200x320xf32>
    %add3A_77 = arith.addf %add3A_47, %mul3A_76 : vector<3200x320xf32>
    %reshape3A = vector.shape_cast %add3A_77 : vector<3200x320xf32> to vector<64x50x320xf32>
    %swap3A = arith.constant 0 : index
    %swap3A_78 = arith.constant 0 : index
    %swap3A_79 = arith.constant 0 : index
    %swap3A_80 = vector.load %arg10[%swap3A, %swap3A_78, %swap3A_79] : memref<64x50x320xf32, #tpu.memory_space<vmem>>, vector<64x50x320xf32>
    tpu.vector_store %arg10[%swap3A, %swap3A_78, %swap3A_79], %reshape3A {strides = array<i32>} : memref<64x50x320xf32, #tpu.memory_space<vmem>>, vector<64x50x320xf32>,
    return
  }
  func.func @transform_0(%arg0: i32) -> (i32, i32) {
    %c0_i32 = arith.constant 0 : i32
    %c0_i32_0 = arith.constant 0 : i32
    return %arg0, %c0_i32 : i32, i32
  }
  func.func @transform_1(%arg0: i32) -> (i32, i32) {
    %c0_i32 = arith.constant 0 : i32
    %c0_i32_0 = arith.constant 0 : i32
    return %arg0, %c0_i32 : i32, i32
  }
  func.func @transform_2(%arg0: i32) -> (i32, i32) {
    %c0_i32 = arith.constant 0 : i32
    %c0_i32_0 = arith.constant 0 : i32
    %c0_i32_1 = arith.constant 0 : i32
    return %c0_i32, %c0_i32_0 : i32, i32
  }
  func.func @transform_3(%arg0: i32) -> (i32, i32) {
    %c0_i32 = arith.constant 0 : i32
    %c0_i32_0 = arith.constant 0 : i32
    %c0_i32_1 = arith.constant 0 : i32
    return %c0_i32, %c0_i32_0 : i32, i32
  }
  func.func @transform_4(%arg0: i32) -> (i32, i32) {
    %c0_i32 = arith.constant 0 : i32
    %c0_i32_0 = arith.constant 0 : i32
    %c0_i32_1 = arith.constant 0 : i32
    return %c0_i32, %c0_i32_0 : i32, i32
  }
  func.func @transform_5(%arg0: i32) -> (i32, i32) {
    %c0_i32 = arith.constant 0 : i32
    %c0_i32_0 = arith.constant 0 : i32
    %c0_i32_1 = arith.constant 0 : i32
    return %c0_i32, %c0_i32_0 : i32, i32
  }
  func.func @transform_6(%arg0: i32) -> (i32, i32) {
    %c0_i32 = arith.constant 0 : i32
    %c0_i32_0 = arith.constant 0 : i32
    %c0_i32_1 = arith.constant 0 : i32
    return %c0_i32, %c0_i32_0 : i32, i32
  }
  func.func @transform_7(%arg0: i32) -> (i32, i32) {
    %c0_i32 = arith.constant 0 : i32
    %c0_i32_0 = arith.constant 0 : i32
    %c0_i32_1 = arith.constant 0 : i32
    return %c0_i32, %c0_i32_0 : i32, i32
  }
  func.func @transform_8(%arg0: i32) -> (i32, i32) {
    %c0_i32 = arith.constant 0 : i32
    %c0_i32_0 = arith.constant 0 : i32
    %c0_i32_1 = arith.constant 0 : i32
    return %c0_i32, %c0_i32_0 : i32, i32
  }
  func.func @transform_9(%arg0: i32) -> (i32, i32, i32) {
    %c0_i32 = arith.constant 0 : i32
    %c0_i32_0 = arith.constant 0 : i32
    %c0_i32_1 = arith.constant 0 : i32
    return %arg0, %c0_i32, %c0_i32_0 : i32, i32, i32
  }
}

</mosaic_0001>

<sc_bundles>
// kernel: kernel.4.cloned.1.call-start
scs
__scs_entry_jumppad:
0x0: {  	(pc) =	sbr.rel $0x88, $3  }
0x1: {  	(tag) =	ssettag $0x0;
	lr =	simm.s32 $0x1  }
0x2: {  	[smem:$0x3F95] =	sst lr;
	_ =	strace $0xD0000000  }
0x3: {  	_ = 	snop  }
0x4: {  	_ = 	snop  }
0x5: {  	_ = 	snop  }
0x6: {  	_ = 	snop  }
0x7: {  	_ = 	snop  }
__scs_overlays_trampoline_lowered:
0x8: {  	[smem:$0x3FA4] =	sst s0  }
0x9: {  	[smem:$0x3FA5] =	sst s1  }
0xa: {  	[smem:$0x3FA6] =	sst s2  }
0xb: {  	[smem:$0x3FA7] =	sst s3  }
0xc: {  	[smem:$0x3FA8] =	sst s4  }
0xd: {  	[smem:$0x3FA9] =	sst s5  }
0xe: {  	[smem:$0x3FAA] =	sst s6  }
0xf: {  	[smem:$0x3FAB] =	sst s7  }
0x10: {  	[smem:$0x3FAC] =	sst s8  }
0x11: {  	[smem:$0x3FAD] =	sst s9;
	s0 =	simm.s32 @!p0 $0x0  }
0x12: {  	s1 =	sld [smem:$0x3F93];
	s0 =	simm.s32 @p0 $0x1  }
0x13: {  	[smem:$0x3FAE] =	sst s0;
	s0 =	simm.s32 @!p1 $0x0  }
0x14: {  	s2 =	sld [smem:$0x3F92];
	s0 =	simm.s32 @p1 $0x1  }
0x15: {  	[smem:$0x3FAF] =	sst s0;
	s0 =	simm.s32 @!p2 $0x0  }
0x16: {  	s3 =	sld [smem:$0x3FDB];
	s0 =	simm.s32 @p2 $0x1  }
0x17: {  	s4 =	simm.s32 $0x1BF5;
	[smem:$0x3FB1] =	sst s0  }
0x18: {  	s0 =	sld [smem:$0x3F94];
	_ =	swait.ge [sflag:s4], $0x0  }
0x19: {  	s7 =	sld [smem:$0x3F95]  }
0x1a: {  	s8 =	sadd.s32 $0xFFFFE003, lr  }
0x1b: {  	s9 =	sadd.s32 $0xFFFFFEF7, lr;
	s5 =	simm.s32 $0xFFFFFFFF;
	p2 =	slt.u32 s8, $0xFFFFF086  }
0x1c: {  	p1 =	slt.u32 s9, $0xF7A;
	s5 =	simm.s32 @!p2 $0x0  }
0x1d: {  	s5 =	simm.s32 @p1 $0x1;
	p0 =	seq.s32 s7, s2  }
0x1e: {  	s7 =	smul.u32 @!p0 $0xF7A, s2;
	p2 =	seq.s32 @!p0 s5, $0x0  }
0x1f: {  	s9 =	smul.u32 $0xF7A, s1;
	s8 =	simm.s32 @!p0 $0x1BF5;
	p2 =	por !p2, p0  }
0x20: {  	[sflag:s8] =	ssyncset.s32 @!p0 $0xFFFFF086;
	s6 =	sadd.s32 @!p0 s3, s7;
	s7 =	simm.s32 @!p0 $0x108  }
0x21: {  	s3 =	sadd.s32 s3, s9;
	s6 =	sadd.s32 @!p0 $0x88, s6;
	s7 =	simm.s32 @p2 $0x1082  }
0x22: {  	[simem:s7], [sflag:s8] =	dma.local @!p0 [hbm:s6], $0xF7A  }
0x23: {  	s9 =	sor.u32 $0xD0000000, s2;
	s6 =	simm.s32 $0x108;
	_ =	swait.ge @!p0 [sflag:s8], $0x0  }
0x24: {  	s3 =	sadd.s32 $0x88, s3;
	s6 =	simm.s32 @!p1 $0x1082;
	[sflag:s4] =	ssyncset.s32 $0xFFFFF086  }
0x25: {  	[simem:s6], [sflag:s4] =	dma.local [hbm:s3], $0xF7A  }
0x26: {  	[smem:$0x3F95] =	sst s1;
	(tag) =	ssettag s2;
	_ =	strace s9  }
0x27: {  	s1 =	sld [smem:$0x3FA5]  }
0x28: {  	s2 =	sld [smem:$0x3FA6]  }
0x29: {  	s4 =	sld [smem:$0x3FA8]  }
0x2a: {  	p0 =	seq.s32 s5, $0x0;
	s5 =	sld [smem:$0x3FA9]  }
0x2b: {  	s6 =	sld [smem:$0x3FAA]  }
0x2c: {  	s7 =	sld [smem:$0x3FAB]  }
0x2d: {  	s3 =	simm.s32 $0x108;
	s8 =	sld [smem:$0x3FAC]  }
0x2e: {  	s3 =	simm.s32 @!p0 $0x1082;
	s9 =	sld [smem:$0x3FAD]  }
0x2f: {  	lr =	sadd.s32 s0, s3;
	s0 =	sld [smem:$0x3FA4]  }
0x30: {  	s3 =	sld [smem:$0x3FA7]  }
0x31: {  	[smem:$0x3FB0] =	sst s10  }
0x32: {  	s10 =	sld [smem:$0x3FAE];
	_ =	sdelay $0x3  }
0x33: {  	p0 =	seq.s32 s10, $0x1;
	s10 =	sld [smem:$0x3FB0];
	_ =	sdelay $0x3  }
0x34: {  	[smem:$0x3FB0] =	sst s10  }
0x35: {  	s10 =	sld [smem:$0x3FAF];
	_ =	sdelay $0x3  }
0x36: {  	p1 =	seq.s32 s10, $0x1;
	s10 =	sld [smem:$0x3FB0];
	_ =	sdelay $0x3  }
0x37: {  	[smem:$0x3FB0] =	sst s10  }
0x38: {  	s10 =	sld [smem:$0x3FB1]  }
0x39: {  	_ = 	snop;
	(pc) =	sbr.ind lr, $3  }
0x3a: {  	_ = 	snop  }
0x3b: {  	_ = 	snop  }
0x3c: {  	p2 =	seq.s32 s10, $0x1;
	s10 =	sld [smem:$0x3FB0]  }
0x3d: {  	_ =	shalt  }
0x3e: {  	_ =	shalt  }
0x3f: {  	_ =	shalt  }
0x40: {  	_ =	shalt  }
0x41: {  	_ =	shalt  }
0x42: {  	_ =	shalt  }
0x43: {  	_ =	shalt  }
0x44: {  	_ =	shalt  }
0x45: {  	_ =	shalt  }
0x46: {  	_ =	shalt  }
0x47: {  	_ =	shalt  }
0x48: {  	_ =	shalt  }
0x49: {  	_ =	shalt  }
0x4a: {  	_ =	shalt  }
0x4b: {  	_ =	shalt  }
0x4c: {  	_ =	shalt  }
0x4d: {  	_ =	shalt  }
0x4e: {  	_ =	shalt  }
0x4f: {  	_ =	shalt  }
0x50: {  	_ =	shalt  }
0x51: {  	_ =	shalt  }
0x52: {  	_ =	shalt  }
0x53: {  	_ =	shalt  }
0x54: {  	_ =	shalt  }
0x55: {  	_ =	shalt  }
0x56: {  	_ =	shalt  }
0x57: {  	_ =	shalt  }
0x58: {  	_ =	shalt  }
0x59: {  	_ =	shalt  }
0x5a: {  	_ =	shalt  }
0x5b: {  	_ =	shalt  }
0x5c: {  	_ =	shalt  }
0x5d: {  	_ =	shalt  }
0x5e: {  	_ =	shalt  }
0x5f: {  	_ =	shalt  }
0x60: {  	_ =	shalt  }
0x61: {  	_ =	shalt  }
0x62: {  	_ =	shalt  }
0x63: {  	_ =	shalt  }
0x64: {  	_ =	shalt  }
0x65: {  	_ =	shalt  }
0x66: {  	_ =	shalt  }
0x67: {  	_ =	shalt  }
0x68: {  	_ =	shalt  }
0x69: {  	_ =	shalt  }
0x6a: {  	_ =	shalt  }
0x6b: {  	_ =	shalt  }
0x6c: {  	_ =	shalt  }
0x6d: {  	_ =	shalt  }
0x6e: {  	_ =	shalt  }
0x6f: {  	_ =	shalt  }
0x70: {  	_ =	shalt  }
0x71: {  	_ =	shalt  }
0x72: {  	_ =	shalt  }
0x73: {  	_ =	shalt  }
0x74: {  	_ =	shalt  }
0x75: {  	_ =	shalt  }
0x76: {  	_ =	shalt  }
0x77: {  	_ =	shalt  }
0x78: {  	_ =	shalt  }
0x79: {  	_ =	shalt  }
0x7a: {  	_ =	shalt  }
0x7b: {  	_ =	shalt  }
0x7c: {  	_ =	shalt  }
0x7d: {  	_ =	shalt  }
0x7e: {  	_ =	shalt  }
0x7f: {  	_ =	shalt  }
0x80: {  	_ =	shalt  }
0x81: {  	_ =	shalt  }
0x82: {  	_ =	shalt  }
0x83: {  	_ =	shalt  }
0x84: {  	_ =	shalt  }
0x85: {  	_ =	shalt  }
0x86: {  	_ =	shalt  }
0x87: {  	_ =	shalt  }
.Lfunc_end0:
.L_simem_size_0:
called_computation_lowered:
.L_overlay_start_0:
0x88: {  	s2 =	sld [smem:$0x3FD9]  }
0x89: {  	s3 =	sld [smem:$0x3FFE];
	_ =	sdelay $0x1  }
0x8a: {  	s1 =	srdreg.scid  }
0x8b: {  	s0 =	sand.u32 $0x1, s1  }
0x8c: {  	s17 =	sshll.u32 s0, $0xA;
	s2 =	sadd.s32 s3, s2  }
0x8d: {  	s2 =	sadd.s32 s2, s17  }
0x8e: {  	[smem:$0x3FBC] =	sst s2  }
0x8f: {  	_ = 	snop  }
0x90: {  	s2 =	sld [smem:$0x3FD0];
	(tm) =	ssettm $0x1  }
0x91: {  	s18 =	sld [smem:$0x3FFB];
	_ =	sdelay $0x3  }
0x92: {  	_ =	strace s18  }
0x93: {  	s3 =	sld [smem:$0x3FFC];
	_ =	sdelay $0x3  }
0x94: {  	_ =	strace s3  }
0x95: {  	s3 =	sld [smem:$0x3FFD];
	_ =	sdelay $0x3  }
0x96: {  	_ =	strace s3  }
0x97: {  	_ =	strace $0x8FFFFFFF  }
0x98: {  	s19 =	sld [smem:$0x3FDB];
	_ =	sdelay $0x1  }
0x99: {  	s4 =	simm.s32 $_scs_section_size  }
0x9a: {  	s5 =	simm.s32 $_size__tile_overlayer_lowered;
	s6 =	simm.s32 $_tile_overlayer_lowered  }
0x9b: {  	s22 =	simm.s32 $0x1BFF;
	s21 =	sshll.u32 s6, $0x1;
	s3 =	sadd.s32 s4, s19  }
0x9c: {  	s7 =	simm.s32 $0x0;
	s20 =	sshll.u32 s5, $0x1;
	s5 =	sadd.s32 s21, s3  }
0x9d: {  	[timem:s7], [sflag:s22] =	dma.local [hbm:s5], s20  }
0x9e: {  	_ =	swait.ge [sflag:s22], s20  }
0x9f: {  	s4 =	ssub.s32 $0x0, s20;
	[sflag:s22] =	ssyncset.done $0x0  }
0xa0: {  	[sflag:s22] =	ssyncadd.s32 s4;
	_ =	sdelay $0x1  }
0xa1: {  	s23 =	simm.s32 $0x1B8B  }
0xa2: {  	_ =	swait.ge [sflag:s23], $0x1  }
0xa3: {  	[sflag:s23] =	ssyncset.done $0x0  }
0xa4: {  	s25 =	simm.s32 $0x1B8E;
	s24 =	sld [smem:$0x3FFE];
	[sflag:s23] =	ssyncadd.s32 $0xFFFFFFFF  }
0xa5: {  	s26 =	simm.s32 $execute0_lowered;
	[smem:$0x3FD2] =	sst s25  }
0xa6: {  	s5 =	sshll.u32 s26, $0x1;
	_ =	strace $0x80000046;
	[dreg:$0x1] =	wrdreg $0xFFFFFFFF  }
0xa7: {  	s28 =	simm.s32 $_size_execute0_lowered;
	s3 =	sadd.s32 s3, s5;
	[dreg:$0x0] =	wrdreg $0x0  }
0xa8: {  	s5 =	sshll.u32 s28, $0x1;
	[dreg:$0x2] =	wrdreg s3  }
0xa9: {  	[dreg:$0x3] =	wrdreg s5  }
0xaa: {  	[dreg:$0x4] =	wrdreg $0xC0  }
0xab: {  	_ =	task [dreg:s7], $0x5FFFF  }
0xac: {  	[dreg:$0x1] =	wrdreg $0xFFFFFFFF  }
0xad: {  	[dreg:$0x0] =	wrdreg $0x60  }
0xae: {  	[dreg:$0x2] =	wrdreg s24  }
0xaf: {  	[dreg:$0x3] =	wrdreg s2  }
0xb0: {  	[dreg:$0x4] =	wrdreg $0x9  }
0xb1: {  	_ =	task.clear_ibuf [dreg:s7], $0x5FFFF;
	_ =	strace $0x90000046  }
0xb2: {  	s29 =	simm.s32 $0x9;
	_ =	strace $0x80000048  }
0xb3: {  	_ =	swait.ge [sflag:s29], $0x1  }
0xb4: {  	[sflag:s29] =	ssyncadd.s32 $0xFFFFFFFF  }
0xb5: {  	_ =	strace $0x90000048  }
0xb6: {  	_ =	sfence  }
0xb7: {  	s30 =	sld [smem:$0x0];
	_ =	sdelay $0x2  }
0xb8: {  	s31 =	sshll.u32 s1, $0xD;
	s1 =	sshrl.u32 s1, $0x2  }
0xb9: {  	s3 =	sand.u32 $0x4000, s31;
	s1 =	sadd.s32 s1, s30  }
0xba: {  	s0 =	sor.u32 s3, s0;
	s1 =	sshll.u32 s1, $0x11  }
0xbb: {  	s0 =	sor.u32 s1, s0  }
0xbc: {  	s0 =	sadd.s32 $0x8F2B, s0  }
0xbd: {  	[sflag:s0] =	ssyncadd.remote.s32 $0x1  }
0xbe: {  	_ =	sfence.sel $0xFFFF  }
0xbf: {  	[dreg:$0x0] =	wrdreg $0xFFFFFFFF;
	(pc) =	sbr.abs _section_cstart, $3  }
0xc0: {  	[dreg:$0x1] =	wrdreg $0xFFFFFFFF  }
0xc1: {  	_ =	task.clear_ibuf [dreg:s7], $0x2FFFF;
	_ =	strace $0x9FFFFFFF  }
0xc2: {  	(tm) =	ssettm $0x7FFFFFFF  }
0xc3: {  	_ =	shalt  }
tec
execute0_lowered:
.L_overlay_start_1:
0x0: {  	(tag) =	ssettag $0x1  }
0x1: {  	s1 =	srdreg.scid;
	s0 =	stileid.u32  }
0x2: {  	s5 =	rddreg [dreg:$0x0];
	s29 =	sand.u32 $0x1, s1;
	s26 =	sshll.u32 s0, $0x1  }
0x3: {  	s14 =	rddreg [dreg:$0x1];
	s15 =	sor.u32 s29, s26  }
0x4: {  	s2 =	simm.s32 $0x0;
	s1 =	rddreg [dreg:$0x2];
	s3 =	sshll.u32 s15, $0x8  }
0x5: {  	[smem:$0x7FF] =	sst s2;
	s3 =	sadd.s32 s3, s5  }
0x6: {  	_ =	strace $0x80000047;
	s4 =	sadd.s32 $0xC5200, s3;
	s3 =	simm.s32 $0x2  }
0x7: {  	[tilespmem:s2], [sflag:$0x2] =	stream.linear.gather [hbm4b:s4+s2], $0x800, $0x38;
	[tilespmem:$0x10800] =	vst v63  }
0x8: {  	_ =	swait.ge [sflag:s3], $0x800  }
0x9: {  	s6 =	simm.s32 $0x80;
	[sflag:s3] =	ssyncset.done $0x0  }
0xa: {  	s7 =	simm.s32 $0x800;
	s5 =	sadd.s32 $0x1C00, s5;
	[sflag:s3] =	ssyncadd.s32 $0xFFFFF800  }
0xb: {  	[tilespmem:s7], [sflag:$0x1] =	stream.indirect.gather [hbm4b:s5+s6], $0x80, s2, s6, $0xb8;
	[tilespmem:$0x10800] =	vst v63  }
0xc: {  	s8 =	simm.s32 $0x4800  }
0xd: {  	[tilespmem:s8], [sflag:$0x1] =	stream.indirect.gather [hbm4b:s5+s6], $0x80, s6, s6, $0xb8;
	[tilespmem:$0x10800] =	vst v63  }
0xe: {  	s9 =	simm.s32 $0x100;
	s10 =	simm.s32 $0x8800  }
0xf: {  	[tilespmem:s10], [sflag:$0x1] =	stream.indirect.gather [hbm4b:s5+s6], $0x80, s9, s6, $0xb8;
	[tilespmem:$0x10800] =	vst v63  }
0x10: {  	s11 =	simm.s32 $0x180;
	s12 =	simm.s32 $0xC800;
	s13 =	simm.s32 $0x1  }
0x11: {  	[tilespmem:s12], [sflag:$0x1] =	stream.indirect.gather [hbm4b:s5+s6], $0x80, s11, s6, $0xb8;
	[tilespmem:$0x10800] =	vst v63  }
0x12: {  	_ =	swait.ge [sflag:s13], $0x10000  }
0x13: {  	s15 =	sshll.u32 s15, $0xF;
	[sflag:s13] =	ssyncset.done $0x0  }
0x14: {  	s14 =	sadd.s32 s14, s15;
	[sflag:s13] =	ssyncadd.s32 $0xFFFF0000  }
0x15: {  	[hbm4b:s14+s2] =	stream.linear.scatter [tilespmem:s7], [sflag:$0x2], $0x10000, $0x38;
	[tilespmem:$0x10800] =	vst v63  }
0x16: {  	_ =	swait.ge [sflag:s3], $0x10000  }
0x17: {  	[sflag:s3] =	ssyncset.done $0x0  }
0x18: {  	s15 =	simm.s32 $0x200;
	[sflag:s3] =	ssyncadd.s32 $0xFFFF0000  }
0x19: {  	[tilespmem:s7], [sflag:$0x1] =	stream.indirect.gather [hbm4b:s5+s6], $0x80, s15, s6, $0xb8;
	[tilespmem:$0x10800] =	vst v63  }
0x1a: {  	s16 =	simm.s32 $0x280  }
0x1b: {  	[tilespmem:s8], [sflag:$0x1] =	stream.indirect.gather [hbm4b:s5+s6], $0x80, s16, s6, $0xb8;
	[tilespmem:$0x10800] =	vst v63  }
0x1c: {  	s17 =	simm.s32 $0x300  }
0x1d: {  	[tilespmem:s10], [sflag:$0x1] =	stream.indirect.gather [hbm4b:s5+s6], $0x80, s17, s6, $0xb8;
	[tilespmem:$0x10800] =	vst v63  }
0x1e: {  	s18 =	simm.s32 $0x380  }
0x1f: {  	[tilespmem:s12], [sflag:$0x1] =	stream.indirect.gather [hbm4b:s5+s6], $0x80, s18, s6, $0xb8;
	[tilespmem:$0x10800] =	vst v63  }
0x20: {  	_ =	swait.ge [sflag:s13], $0x10000  }
0x21: {  	[sflag:s13] =	ssyncset.done $0x0  }
0x22: {  	s19 =	sadd.s32 $0x2000, s14;
	[sflag:s13] =	ssyncadd.s32 $0xFFFF0000  }
0x23: {  	[hbm4b:s19+s2] =	stream.linear.scatter [tilespmem:s7], [sflag:$0x2], $0x10000, $0x38;
	[tilespmem:$0x10800] =	vst v63  }
0x24: {  	_ =	swait.ge [sflag:s3], $0x10000  }
0x25: {  	[sflag:s3] =	ssyncset.done $0x0  }
0x26: {  	s20 =	simm.s32 $0x400;
	[sflag:s3] =	ssyncadd.s32 $0xFFFF0000  }
0x27: {  	[tilespmem:s7], [sflag:$0x1] =	stream.indirect.gather [hbm4b:s5+s6], $0x80, s20, s6, $0xb8;
	[tilespmem:$0x10800] =	vst v63  }
0x28: {  	s21 =	simm.s32 $0x480  }
0x29: {  	[tilespmem:s8], [sflag:$0x1] =	stream.indirect.gather [hbm4b:s5+s6], $0x80, s21, s6, $0xb8;
	[tilespmem:$0x10800] =	vst v63  }
0x2a: {  	s22 =	simm.s32 $0x500  }
0x2b: {  	[tilespmem:s10], [sflag:$0x1] =	stream.indirect.gather [hbm4b:s5+s6], $0x80, s22, s6, $0xb8;
	[tilespmem:$0x10800] =	vst v63  }
0x2c: {  	s23 =	simm.s32 $0x580  }
0x2d: {  	[tilespmem:s12], [sflag:$0x1] =	stream.indirect.gather [hbm4b:s5+s6], $0x80, s23, s6, $0xb8;
	[tilespmem:$0x10800] =	vst v63  }
0x2e: {  	_ =	swait.ge [sflag:s13], $0x10000  }
0x2f: {  	[sflag:s13] =	ssyncset.done $0x0  }
0x30: {  	s24 =	sadd.s32 $0x4000, s14;
	[sflag:s13] =	ssyncadd.s32 $0xFFFF0000  }
0x31: {  	[hbm4b:s24+s2] =	stream.linear.scatter [tilespmem:s7], [sflag:$0x2], $0x10000, $0x38;
	[tilespmem:$0x10800] =	vst v63  }
0x32: {  	_ =	swait.ge [sflag:s3], $0x10000  }
0x33: {  	[sflag:s3] =	ssyncset.done $0x0  }
0x34: {  	s25 =	simm.s32 $0x600;
	s30 =	ssub.s32 $0x2, s29;
	[sflag:s3] =	ssyncadd.s32 $0xFFFF0000  }
0x35: {  	[tilespmem:s7], [sflag:$0x1] =	stream.indirect.gather [hbm4b:s5+s6], $0x80, s25, s6, $0xb8;
	[tilespmem:$0x10800] =	vst v63  }
0x36: {  	s26 =	simm.s32 $0x680;
	s31 =	sshrl.u32 s30, $0x1  }
0x37: {  	[tilespmem:s8], [sflag:$0x1] =	stream.indirect.gather [hbm4b:s5+s6], $0x80, s26, s6, $0xb8;
	[tilespmem:$0x10800] =	vst v63  }
0x38: {  	s28 =	simm.s32 $0x700;
	s30 =	ssub.s32 s30, s31  }
0x39: {  	[tilespmem:s10], [sflag:$0x1] =	stream.indirect.gather [hbm4b:s5+s6], $0x80, s28, s6, $0xb8;
	[tilespmem:$0x10800] =	vst v63  }
0x3a: {  	s29 =	simm.s32 $0x780;
	s31 =	smax.u32 s30, $0x1  }
0x3b: {  	[tilespmem:s12], [sflag:$0x1] =	stream.indirect.gather [hbm4b:s5+s6], $0x80, s29, s6, $0xb8;
	[tilespmem:$0x10800] =	vst v63  }
0x3c: {  	p0 =	sne.s32 s31, $0x1;
	_ =	swait.ge [sflag:s13], $0x10000  }
.Ltmp0:
0x3d: {  	[sflag:s13] =	ssyncset.done $0x0;
	(pc) =	sbr.rel @!p0 .LBB2_2-.Ltmp0, $4  }
0x3e: {  	s30 =	sadd.s32 $0x6000, s14;
	[sflag:s13] =	ssyncadd.s32 $0xFFFF0000  }
0x3f: {  	[hbm4b:s30+s2] =	stream.linear.scatter [tilespmem:s7], [sflag:$0x2], $0x10000, $0x38;
	[tilespmem:$0x10800] =	vst v63  }
0x40: {  	_ =	swait.ge [sflag:s3], $0x10000  }
0x41: {  	s31 =	sadd.s32 $0xFFFFFFFF, s31;
	[sflag:s3] =	ssyncset.done $0x0  }
.LBB2_1:
0x42: {  	p0 =	sne.s32 s31, $0x1;
	s31 =	sadd.s32 $0xFFFFFFFF, s31;
	[sflag:s3] =	ssyncadd.s32 $0xFFFF0000  }
0x43: {  	[tilespmem:s2], [sflag:$0x2] =	stream.linear.gather [hbm4b:s4+s2], $0x800, $0x38;
	[tilespmem:$0x10800] =	vst v63  }
0x44: {  	_ =	swait.ge [sflag:s3], $0x800  }
0x45: {  	[sflag:s3] =	ssyncset.done $0x0  }
0x46: {  	[sflag:s3] =	ssyncadd.s32 $0xFFFFF800  }
0x47: {  	[tilespmem:s7], [sflag:$0x1] =	stream.indirect.gather [hbm4b:s5+s6], $0x80, s2, s6, $0xb8;
	[tilespmem:$0x10800] =	vst v63  }
0x48: {  	_ = 	snop  }
0x49: {  	[tilespmem:s8], [sflag:$0x1] =	stream.indirect.gather [hbm4b:s5+s6], $0x80, s6, s6, $0xb8;
	[tilespmem:$0x10800] =	vst v63  }
0x4a: {  	_ = 	snop  }
0x4b: {  	[tilespmem:s10], [sflag:$0x1] =	stream.indirect.gather [hbm4b:s5+s6], $0x80, s9, s6, $0xb8;
	[tilespmem:$0x10800] =	vst v63  }
0x4c: {  	_ = 	snop  }
0x4d: {  	[tilespmem:s12], [sflag:$0x1] =	stream.indirect.gather [hbm4b:s5+s6], $0x80, s11, s6, $0xb8;
	[tilespmem:$0x10800] =	vst v63  }
0x4e: {  	_ =	swait.ge [sflag:s13], $0x10000  }
0x4f: {  	[sflag:s13] =	ssyncset.done $0x0  }
0x50: {  	[sflag:s13] =	ssyncadd.s32 $0xFFFF0000  }
0x51: {  	[hbm4b:s14+s2] =	stream.linear.scatter [tilespmem:s7], [sflag:$0x2], $0x10000, $0x38;
	[tilespmem:$0x10800] =	vst v63  }
0x52: {  	_ =	swait.ge [sflag:s3], $0x10000  }
0x53: {  	[sflag:s3] =	ssyncset.done $0x0  }
0x54: {  	[sflag:s3] =	ssyncadd.s32 $0xFFFF0000  }
0x55: {  	[tilespmem:s7], [sflag:$0x1] =	stream.indirect.gather [hbm4b:s5+s6], $0x80, s15, s6, $0xb8;
	[tilespmem:$0x10800] =	vst v63  }
0x56: {  	_ = 	snop  }
0x57: {  	[tilespmem:s8], [sflag:$0x1] =	stream.indirect.gather [hbm4b:s5+s6], $0x80, s16, s6, $0xb8;
	[tilespmem:$0x10800] =	vst v63  }
0x58: {  	_ = 	snop  }
0x59: {  	[tilespmem:s10], [sflag:$0x1] =	stream.indirect.gather [hbm4b:s5+s6], $0x80, s17, s6, $0xb8;
	[tilespmem:$0x10800] =	vst v63  }
0x5a: {  	_ = 	snop  }
0x5b: {  	[tilespmem:s12], [sflag:$0x1] =	stream.indirect.gather [hbm4b:s5+s6], $0x80, s18, s6, $0xb8;
	[tilespmem:$0x10800] =	vst v63  }
0x5c: {  	_ =	swait.ge [sflag:s13], $0x10000  }
0x5d: {  	[sflag:s13] =	ssyncset.done $0x0  }
0x5e: {  	[sflag:s13] =	ssyncadd.s32 $0xFFFF0000  }
0x5f: {  	[hbm4b:s19+s2] =	stream.linear.scatter [tilespmem:s7], [sflag:$0x2], $0x10000, $0x38;
	[tilespmem:$0x10800] =	vst v63  }
0x60: {  	_ =	swait.ge [sflag:s3], $0x10000  }
0x61: {  	[sflag:s3] =	ssyncset.done $0x0  }
0x62: {  	[sflag:s3] =	ssyncadd.s32 $0xFFFF0000  }
0x63: {  	[tilespmem:s7], [sflag:$0x1] =	stream.indirect.gather [hbm4b:s5+s6], $0x80, s20, s6, $0xb8;
	[tilespmem:$0x10800] =	vst v63  }
0x64: {  	_ = 	snop  }
0x65: {  	[tilespmem:s8], [sflag:$0x1] =	stream.indirect.gather [hbm4b:s5+s6], $0x80, s21, s6, $0xb8;
	[tilespmem:$0x10800] =	vst v63  }
0x66: {  	_ = 	snop  }
0x67: {  	[tilespmem:s10], [sflag:$0x1] =	stream.indirect.gather [hbm4b:s5+s6], $0x80, s22, s6, $0xb8;
	[tilespmem:$0x10800] =	vst v63  }
0x68: {  	_ = 	snop  }
0x69: {  	[tilespmem:s12], [sflag:$0x1] =	stream.indirect.gather [hbm4b:s5+s6], $0x80, s23, s6, $0xb8;
	[tilespmem:$0x10800] =	vst v63  }
0x6a: {  	_ =	swait.ge [sflag:s13], $0x10000  }
0x6b: {  	[sflag:s13] =	ssyncset.done $0x0  }
0x6c: {  	[sflag:s13] =	ssyncadd.s32 $0xFFFF0000  }
0x6d: {  	[hbm4b:s24+s2] =	stream.linear.scatter [tilespmem:s7], [sflag:$0x2], $0x10000, $0x38;
	[tilespmem:$0x10800] =	vst v63  }
0x6e: {  	_ =	swait.ge [sflag:s3], $0x10000  }
0x6f: {  	[sflag:s3] =	ssyncset.done $0x0  }
0x70: {  	[sflag:s3] =	ssyncadd.s32 $0xFFFF0000  }
0x71: {  	[tilespmem:s7], [sflag:$0x1] =	stream.indirect.gather [hbm4b:s5+s6], $0x80, s25, s6, $0xb8;
	[tilespmem:$0x10800] =	vst v63  }
0x72: {  	_ = 	snop  }
0x73: {  	[tilespmem:s8], [sflag:$0x1] =	stream.indirect.gather [hbm4b:s5+s6], $0x80, s26, s6, $0xb8;
	[tilespmem:$0x10800] =	vst v63  }
0x74: {  	_ = 	snop  }
0x75: {  	[tilespmem:s10], [sflag:$0x1] =	stream.indirect.gather [hbm4b:s5+s6], $0x80, s28, s6, $0xb8;
	[tilespmem:$0x10800] =	vst v63  }
0x76: {  	_ = 	snop  }
0x77: {  	[tilespmem:s12], [sflag:$0x1] =	stream.indirect.gather [hbm4b:s5+s6], $0x80, s29, s6, $0xb8;
	[tilespmem:$0x10800] =	vst v63  }
0x78: {  	_ =	swait.ge [sflag:s13], $0x10000  }
.Ltmp1:
0x79: {  	[sflag:s13] =	ssyncset.done $0x0;
	(pc) =	sbr.rel @p0 .LBB2_1-.Ltmp1, $4  }
0x7a: {  	[sflag:s13] =	ssyncadd.s32 $0xFFFF0000  }
0x7b: {  	[hbm4b:s30+s2] =	stream.linear.scatter [tilespmem:s7], [sflag:$0x2], $0x10000, $0x38;
	[tilespmem:$0x10800] =	vst v63  }
0x7c: {  	_ =	swait.ge [sflag:s3], $0x10000  }
0x7d: {  	[sflag:s3] =	ssyncset.done $0x0  }
.LBB2_2:
0x7e: {  	[sflag:s3] =	ssyncadd.s32 $0xFFFF0000  }
0x7f: {  	_ =	sfence.sel $0x180000  }
0x80: {  	[bflag:$0x0] =	sbarrier.arrive $0xFFFF  }
0x81: {  	p0 =	sne.s32 s0, $0x0;
	_ =	strace $0x90000047  }
0x82: {  	s0 =	sadd.s32 @!p0 $0x100000, s1;
	[bflag:$0x2] =	sbarrier.arrive $0xFFFF  }
0x83: {  	[sflag:s0] =	ssyncadd.tile.s32 @!p0 $0x1;
	_ =	shalt  }
.Lfunc_end2:
_tile_overlayer_lowered:
.L_overlay_start_2:
0x84: {  	(tag) =	ssettag $0x2  }
0x85: {  	s0 =	rddreg [dreg:$0x0];
	s2 =	stileid.u32  }
0x86: {  	s1 =	rddreg [dreg:$0x1];
	p0 =	sne.s32 s2, $0x0  }
0x87: {  	s3 =	rddreg [dreg:$0x2];
	[bflag:$0x3] =	sbarrier.arrive $0xFFFF;
	s2 =	simm.s32 @!p0 $0x1C02  }
0x88: {  	[timem:s3], [sflag:s2] =	dma.local @!p0 [hbm:s0], s1  }
0x89: {  	s0 =	simm.s32 @!p0 $0x2  }
0x8a: {  	_ =	swait.ge @!p0 [sflag:s0], s1  }
0x8b: {  	s1 =	ssub.s32 @!p0 $0x0, s1;
	[sflag:s0] =	ssyncset.done @!p0 $0x0  }
0x8c: {  	[sflag:s0] =	ssyncadd.s32 @!p0 s1  }
0x8d: {  	[bflag:$0x3] =	sbarrier.arrive $0xFFFF  }
0x8e: {  	_ =	shalt  }

</sc_bundles>
